<compile_context>
chip_gen: v7x
topology: tpu7x:2x2x1
jax: 0.10.2.dev20260603
libtpu: 0.0.44.dev20260713+nightly
codegen_flags: <defaults>
</compile_context>

<pallas_src>
import functools

import jax
import jax.numpy as jnp
from jax import lax
from jax.experimental import pallas as pl
from jax.experimental.pallas import tpu as pltpu

BD = 256
BS = 1024


def _leaky(x, slope):
    return jnp.where(x >= 0, x, slope * x)


def _k1_body(h_ref, w_ref, avm_ref, hp_ref, av_ref, gmax_ref):
    i = pl.program_id(0)
    hp = jnp.dot(h_ref[...], w_ref[...], preferred_element_type=jnp.float32)
    hp_ref[...] = hp
    av = jnp.dot(hp, avm_ref[...], preferred_element_type=jnp.float32)
    av_ref[...] = av
    bmax = jnp.full((1, 128), jnp.max(av[:, 0]), jnp.float32)

    @pl.when(i == 0)
    def _():
        gmax_ref[...] = bmax

    @pl.when(i > 0)
    def _():
        gmax_ref[...] = jnp.maximum(gmax_ref[...], bmax)


def _k1(h, W, asrc, adst):
    npad, din = h.shape
    dout = W.shape[1]
    avm = jnp.pad(jnp.stack([asrc, adst], axis=1), ((0, 0), (0, 126)))
    grid = (npad // BD,)
    hp, av, gmax = pl.pallas_call(
        _k1_body,
        grid=grid,
        in_specs=[
            pl.BlockSpec((BD, din), lambda i: (i, 0)),
            pl.BlockSpec((din, dout), lambda i: (0, 0)),
            pl.BlockSpec((dout, 128), lambda i: (0, 0)),
        ],
        out_specs=[
            pl.BlockSpec((BD, dout), lambda i: (i, 0)),
            pl.BlockSpec((BD, 128), lambda i: (i, 0)),
            pl.BlockSpec((1, 128), lambda i: (0, 0)),
        ],
        out_shape=[
            jax.ShapeDtypeStruct((npad, dout), jnp.float32),
            jax.ShapeDtypeStruct((npad, 128), jnp.float32),
            jax.ShapeDtypeStruct((1, 128), jnp.float32),
        ],
        compiler_params=pltpu.CompilerParams(
            dimension_semantics=("arbitrary",)),
    )(h, W, avm)
    return hp, av, gmax


def _k3_body(gmax_ref, as_ref, ad_ref, cnt_ref, hp_ref, b_ref,
             out_ref, acc_ref, den_ref, *, relu):
    k = pl.program_id(1)

    @pl.when(k == 0)
    def _():
        acc_ref[...] = jnp.zeros_like(acc_ref)
        den_ref[...] = jnp.zeros_like(den_ref)

    a_s = as_ref[0, :]
    a_d = ad_ref[:, 0]
    g = gmax_ref[0, 0]
    t = _leaky(a_s[None, :] + a_d[:, None], 0.2)
    m = _leaky(g + a_d, 0.2)
    arg = jnp.minimum(t - m[:, None], 0.0)
    wt = cnt_ref[...] * jnp.exp(arg)
    acc_ref[...] += jnp.dot(wt, hp_ref[...], preferred_element_type=jnp.float32)
    den_ref[...] += jnp.sum(wt, axis=1, keepdims=True)

    @pl.when(k == pl.num_programs(1) - 1)
    def _():
        o = acc_ref[...] / (den_ref[...] + 1e-16) + b_ref[0, :][None, :]
        if relu:
            o = jnp.maximum(o, 0.0)
        out_ref[...] = o


def _k3(gmax, a_s_row, a_d_col, cnt, hp, b, relu):
    npad, dout = hp.shape
    grid = (npad // BD, npad // BS)
    return pl.pallas_call(
        functools.partial(_k3_body, relu=relu),
        grid=grid,
        in_specs=[
            pl.BlockSpec((1, 128), lambda i, k: (0, 0)),
            pl.BlockSpec((1, BS), lambda i, k: (0, k)),
            pl.BlockSpec((BD, 1), lambda i, k: (i, 0)),
            pl.BlockSpec((BD, BS), lambda i, k: (i, k)),
            pl.BlockSpec((BS, dout), lambda i, k: (k, 0)),
            pl.BlockSpec((1, dout), lambda i, k: (0, 0)),
        ],
        out_specs=pl.BlockSpec((BD, dout), lambda i, k: (i, 0)),
        out_shape=jax.ShapeDtypeStruct((npad, dout), jnp.float32),
        scratch_shapes=[
            pltpu.VMEM((BD, dout), jnp.float32),
            pltpu.VMEM((BD, 1), jnp.float32),
        ],
        compiler_params=pltpu.CompilerParams(
            dimension_semantics=("parallel", "arbitrary")),
    )(gmax, a_s_row, a_d_col, cnt, hp, b)


def _k4_body(cnt_ref, g_ref, w1_ref, b1_ref, w2_ref, b2_ref,
             *rest, act, cls):
    if cls:
        cw1_ref, cb1_ref, cw2_ref, cb2_ref, out_ref, acc_ref = rest
    else:
        out_ref, acc_ref = rest
    k = pl.program_id(1)

    @pl.when(k == 0)
    def _():
        acc_ref[...] = jnp.zeros_like(acc_ref)

    acc_ref[...] += jnp.dot(cnt_ref[...], g_ref[...],
                            preferred_element_type=jnp.float32)

    @pl.when(k == pl.num_programs(1) - 1)
    def _():
        z = acc_ref[...]
        z = jnp.maximum(jnp.dot(z, w1_ref[...],
                                preferred_element_type=jnp.float32)
                        + b1_ref[0, :][None, :], 0.0)
        z = jnp.dot(z, w2_ref[...],
                    preferred_element_type=jnp.float32) + b2_ref[0, :][None, :]
        if act:
            z = jnp.maximum(z, 0.0)
        if cls:
            z = _leaky(jnp.dot(z, cw1_ref[...],
                               preferred_element_type=jnp.float32)
                       + cb1_ref[0, :][None, :], 0.01)
            z = jnp.dot(z, cw2_ref[...],
                        preferred_element_type=jnp.float32) \
                + cb2_ref[0, :][None, :]
        out_ref[...] = z


def _k4(cnt, g, w1, b1, w2, b2, act, cls):
    npad, din = g.shape
    dout = 1 if cls is not None else w2.shape[1]
    grid = (npad // BD, npad // BS)
    dh = w1.shape[1]
    d2 = w2.shape[1]
    in_specs = [
        pl.BlockSpec((BD, BS), lambda i, k: (i, k)),
        pl.BlockSpec((BS, din), lambda i, k: (k, 0)),
        pl.BlockSpec((din, dh), lambda i, k: (0, 0)),
        pl.BlockSpec((1, dh), lambda i, k: (0, 0)),
        pl.BlockSpec((dh, d2), lambda i, k: (0, 0)),
        pl.BlockSpec((1, d2), lambda i, k: (0, 0)),
    ]
    args = [cnt, g, w1, b1.reshape(1, -1), w2, b2.reshape(1, -1)]
    if cls is not None:
        cw1, cb1, cw2, cb2 = cls
        in_specs += [
            pl.BlockSpec((d2, 10), lambda i, k: (0, 0)),
            pl.BlockSpec((1, 10), lambda i, k: (0, 0)),
            pl.BlockSpec((10, 1), lambda i, k: (0, 0)),
            pl.BlockSpec((1, 1), lambda i, k: (0, 0)),
        ]
        args += [cw1, cb1.reshape(1, -1), cw2, cb2.reshape(1, -1)]
    return pl.pallas_call(
        functools.partial(_k4_body, act=act, cls=cls is not None),
        grid=grid,
        in_specs=in_specs,
        out_specs=pl.BlockSpec((BD, dout), lambda i, k: (i, 0)),
        out_shape=jax.ShapeDtypeStruct((npad, dout), jnp.float32),
        scratch_shapes=[pltpu.VMEM((BD, din), jnp.float32)],
        compiler_params=pltpu.CompilerParams(
            dimension_semantics=("parallel", "arbitrary")),
    )(*args)


def _build_cnt(flat_idx, npad):
    cnt = jnp.zeros((npad * npad,), jnp.float32).at[flat_idx].add(1.0)
    return cnt.reshape(npad, npad)


def kernel(recon_signal_error, original_idx, params):
    x = recon_signal_error
    n, c = x.shape
    npad = (n // 2048 + 1) * 2048

    src0 = original_idx[0]
    dst0 = original_idx[1]
    loop = jnp.arange(n, dtype=jnp.int32)
    src = jnp.concatenate([src0, loop])
    dst = jnp.concatenate([dst0, loop])
    flat = dst * npad + src

    cnt = _build_cnt(flat, npad)

    h = jnp.pad(x, ((0, npad - n), (0, 0)))
    for l in range(4):
        hp, av, gmax = _k1(h, params['gat%d_W' % l],
                           params['gat%d_asrc' % l], params['gat%d_adst' % l])
        a_s_row = av[:, 0].reshape(1, npad)
        a_d_col = av[:, 1:2]
        h = _k3(gmax, a_s_row, a_d_col, cnt, hp,
                params['gat%d_b' % l].reshape(1, -1), relu=(l < 3))

    g = _k4(cnt, h, params['gin0_W1'], params['gin0_b1'],
            params['gin0_W2'], params['gin0_b2'], act=True, cls=None)
    out = _k4(cnt, g, params['gin1_W1'], params['gin1_b1'],
              params['gin1_W2'], params['gin1_b2'], act=False,
              cls=(params['cls_W1'], params['cls_b1'],
                   params['cls_W2'], params['cls_b2']))
    return out[:n]

# --- scband reference (transcript-rebuilt; emitter-appended) ---
"""Pipeline reference for scband-neural-error-classifier-45217415692428 (READ-ONLY COPY).

The authoritative reference and input builder live on the scoring server;
editing this copy changes nothing except your own understanding.
"""

import jax, jax.numpy as jnp
import numpy as np

N = 10000
E = 160000
C = 256

def _glorot(key, shape):
    fan_in = shape[0]
    fan_out = shape[-1]
    std = np.sqrt(2.0 / (fan_in + fan_out))
    return jax.random.normal(key, shape, dtype=jnp.float32) * std

def _make_params(key):
    params = {}
    i = [0]
    def nk():
        i[0] += 1
        return jax.random.fold_in(key, i[0])
    gat_dims = [(256, 512), (512, 512), (512, 512), (512, 256)]
    for l, (din, dout) in enumerate(gat_dims):
        params['gat%d_W' % l] = _glorot(nk(), (din, dout))
        params['gat%d_asrc' % l] = _glorot(nk(), (dout,))
        params['gat%d_adst' % l] = _glorot(nk(), (dout,))
        params['gat%d_b' % l] = jnp.zeros((dout,), jnp.float32)
    gin_dims = [(256, 128, 128), (128, 64, 64)]
    for l, (din, dh, dout) in enumerate(gin_dims):
        params['gin%d_W1' % l] = _glorot(nk(), (din, dh))
        params['gin%d_b1' % l] = jnp.zeros((dh,), jnp.float32)
        params['gin%d_W2' % l] = _glorot(nk(), (dh, dout))
        params['gin%d_b2' % l] = jnp.zeros((dout,), jnp.float32)
    params['cls_W1'] = _glorot(nk(), (64, 10))
    params['cls_b1'] = jnp.zeros((10,), jnp.float32)
    params['cls_W2'] = _glorot(nk(), (10, 1))
    params['cls_b2'] = jnp.zeros((1,), jnp.float32)
    return params

def setup_inputs(seed: int = 0):
    key = jax.random.key(seed)
    k1, k2, k3 = jax.random.split(key, 3)
    x = jax.random.normal(k1, (N, C), dtype=jnp.float32)
    edge_index = jax.random.randint(k2, (2, E), 0, N, dtype=jnp.int32)
    params = _make_params(k3)
    return {'recon_signal_error': x, 'original_idx': edge_index, 'params': params}

def _gat_layer(h, src, dst, W, asrc, adst, b):
    hp = h @ W
    a_s = hp @ asrc
    a_d = hp @ adst
    e = jax.nn.leaky_relu(a_s[src] + a_d[dst], negative_slope=0.2)
    m = jax.ops.segment_max(e, dst, num_segments=N)
    m = jnp.where(jnp.isfinite(m), m, 0.0)
    ex = jnp.exp(e - m[dst])
    denom = jax.ops.segment_sum(ex, dst, num_segments=N)
    alpha = ex / (denom[dst] + 1e-16)
    out = jax.ops.segment_sum(alpha[:, None] * hp[src], dst, num_segments=N)
    return out + b

def _forward(x, edge_index, params):
    src0 = edge_index[0]
    dst0 = edge_index[1]
    loop = jnp.arange(N, dtype=src0.dtype)
    src = jnp.concatenate([src0, loop])
    dst = jnp.concatenate([dst0, loop])
    h = x
    for l in range(4):
        h = _gat_layer(h, src, dst, params['gat%d_W' % l], params['gat%d_asrc' % l], params['gat%d_adst' % l], params['gat%d_b' % l])
        if l < 3:
            h = jax.nn.relu(h)
    g = h
    for l in range(2):
        agg = jax.ops.segment_sum(g[src0], dst0, num_segments=N)
        z = g + agg
        z = jax.nn.relu(z @ params['gin%d_W1' % l] + params['gin%d_b1' % l])
        z = z @ params['gin%d_W2' % l] + params['gin%d_b2' % l]
        g = jax.nn.relu(z) if l < 1 else z
    out = jax.nn.leaky_relu(g @ params['cls_W1'] + params['cls_b1'], negative_slope=0.01)
    out = out @ params['cls_W2'] + params['cls_b2']
    return out

def reference(recon_signal_error, original_idx, params):
    return _forward(recon_signal_error, original_idx, params)

if __name__ == "__main__":
    import jax
    _d = setup_inputs()
    print(jax.jit(kernel)(*tuple(_d.values())))

</pallas_src>

<mosaic_0001>
module attributes {stable_mosaic.version = 14 : i64} {
  func.func @_k1_body(%arg0: i32, %arg1: memref<256x256xf32, #tpu.memory_space<vmem>>, %arg2: memref<256x512xf32, #tpu.memory_space<vmem>>, %arg3: memref<512x128xf32, #tpu.memory_space<vmem>>, %arg4: memref<256x512xf32, #tpu.memory_space<vmem>>, %arg5: memref<256x128xf32, #tpu.memory_space<vmem>>, %arg6: memref<1x128xf32, #tpu.memory_space<vmem>>) attributes {dimension_semantics = [#tpu.dimension_semantics<arbitrary>], iteration_bounds = array<i64: 40>, scalar_prefetch = 0 : i64, scratch_operands = 0 : i64, tpu.core_type = #tpu.core_type<tc>, window_params = [{transform_indices = @transform_0, window_bounds = array<i64: 256, 256>}, {pipeline_mode = #tpu.pipeline_mode<synchronous>, transform_indices = @transform_1, window_bounds = array<i64: 256, 512>}, {pipeline_mode = #tpu.pipeline_mode<synchronous>, transform_indices = @transform_2, window_bounds = array<i64: 512, 128>}, {transform_indices = @transform_3, window_bounds = array<i64: 256, 512>}, {transform_indices = @transform_4, window_bounds = array<i64: 256, 128>}, {pipeline_mode = #tpu.pipeline_mode<synchronous>, transform_indices = @transform_5, window_bounds = array<i64: 1, 128>}]} {
    %get3A = arith.constant 0 : index
    %get3A_0 = arith.constant 0 : index
    %get3A_1 = vector.load %arg1[%get3A, %get3A_0] : memref<256x256xf32, #tpu.memory_space<vmem>>, vector<256x256xf32>
    %get3A_2 = arith.constant 0 : index
    %get3A_3 = arith.constant 0 : index
    %get3A_4 = vector.load %arg2[%get3A_2, %get3A_3] : memref<256x512xf32, #tpu.memory_space<vmem>>, vector<256x512xf32>
    %dot_general3A = arith.constant dense<0.000000e+00> : vector<256x512xf32>
    %dot_general3A_5 = tpu.matmul %get3A_1, %get3A_4, %dot_general3A {dimension_numbers = #tpu.dot_dimension_numbers<[1], [0], [0], [1], [0, 0, 1, 1], [], []>, transpose_lhs_hint = false} : vector<256x256xf32>, vector<256x512xf32>, vector<256x512xf32> -> vector<256x512xf32>
    %swap3A = arith.constant 0 : index
    %swap3A_6 = arith.constant 0 : index
    %swap3A_7 = vector.load %arg4[%swap3A, %swap3A_6] : memref<256x512xf32, #tpu.memory_space<vmem>>, vector<256x512xf32>
    tpu.vector_store %arg4[%swap3A, %swap3A_6], %dot_general3A_5 {strides = array<i32>} : memref<256x512xf32, #tpu.memory_space<vmem>>, vector<256x512xf32>,
    %get3A_8 = arith.constant 0 : index
    %get3A_9 = arith.constant 0 : index
    %get3A_10 = vector.load %arg3[%get3A_8, %get3A_9] : memref<512x128xf32, #tpu.memory_space<vmem>>, vector<512x128xf32>
    %dot_general3A_11 = arith.constant dense<0.000000e+00> : vector<256x128xf32>
    %dot_general3A_12 = tpu.matmul %dot_general3A_5, %get3A_10, %dot_general3A_11 {dimension_numbers = #tpu.dot_dimension_numbers<[1], [0], [0], [1], [0, 0, 1, 1], [], []>, transpose_lhs_hint = false} : vector<256x512xf32>, vector<512x128xf32>, vector<256x128xf32> -> vector<256x128xf32>
    %swap3A_13 = arith.constant 0 : index
    %swap3A_14 = arith.constant 0 : index
    %swap3A_15 = vector.load %arg5[%swap3A_13, %swap3A_14] : memref<256x128xf32, #tpu.memory_space<vmem>>, vector<256x128xf32>
    tpu.vector_store %arg5[%swap3A_13, %swap3A_14], %dot_general3A_12 {strides = array<i32>} : memref<256x128xf32, #tpu.memory_space<vmem>>, vector<256x128xf32>,
    %slice3A = vector.extract_strided_slice %dot_general3A_12 {offsets = [0, 0], sizes = [256, 1], strides = [1, 1]} : vector<256x128xf32> to vector<256x1xf32>
    %squeeze3A = vector.shape_cast %slice3A : vector<256x1xf32> to vector<256xf32>
    %reduce_max3A = vector.shape_cast %squeeze3A : vector<256xf32> to vector<1x256xf32>
    %reduce_max3A_16 = arith.constant dense<0xFF800000> : vector<1xf32>
    %reduce_max3A_17 = vector.multi_reduction <maximumf>, %reduce_max3A, %reduce_max3A_16 [1] : vector<1x256xf32> to vector<1xf32>
    %reduce_max3A_18 = vector.shape_cast %reduce_max3A_17 : vector<1xf32> to vector<1x1xf32>
    %reduce_max3A_19 = vector.extract %reduce_max3A_18[0, 0] : f32 from vector<1x1xf32>
    %broadcast_in_dim3A = vector.broadcast %reduce_max3A_19 : f32 to vector<1x128xf32>
    %eq3A = arith.constant 0 : i32
    %eq3A_20 = arith.cmpi eq, %arg0, %eq3A : i32
    %convert_element_type3A = arith.extui %eq3A_20 : i1 to i32
    %cond3A = arith.constant 0 : i32
    %cond3A_21 = arith.cmpi ne, %convert_element_type3A, %cond3A : i32
    scf.if %cond3A_21 {
      %swap3A_26 = arith.constant 0 : index
      %swap3A_27 = arith.constant 0 : index
      %swap3A_28 = vector.load %arg6[%swap3A_26, %swap3A_27] : memref<1x128xf32, #tpu.memory_space<vmem>>, vector<1x128xf32>
      tpu.vector_store %arg6[%swap3A_26, %swap3A_27], %broadcast_in_dim3A {strides = array<i32>} : memref<1x128xf32, #tpu.memory_space<vmem>>, vector<1x128xf32>,
    } else {
    }
    %gt3A = arith.constant 0 : i32
    %gt3A_22 = arith.cmpi sgt, %arg0, %gt3A : i32
    %convert_element_type3A_23 = arith.extui %gt3A_22 : i1 to i32
    %cond3A_24 = arith.constant 0 : i32
    %cond3A_25 = arith.cmpi ne, %convert_element_type3A_23, %cond3A_24 : i32
    scf.if %cond3A_25 {
      %get3A_26 = arith.constant 0 : index
      %get3A_27 = arith.constant 0 : index
      %get3A_28 = vector.load %arg6[%get3A_26, %get3A_27] : memref<1x128xf32, #tpu.memory_space<vmem>>, vector<1x128xf32>
      %max3A = arith.maximumf %get3A_28, %broadcast_in_dim3A : vector<1x128xf32>
      %swap3A_29 = arith.constant 0 : index
      %swap3A_30 = arith.constant 0 : index
      %swap3A_31 = vector.load %arg6[%swap3A_29, %swap3A_30] : memref<1x128xf32, #tpu.memory_space<vmem>>, vector<1x128xf32>
      tpu.vector_store %arg6[%swap3A_29, %swap3A_30], %max3A {strides = array<i32>} : memref<1x128xf32, #tpu.memory_space<vmem>>, vector<1x128xf32>,
    } else {
    }
    return
  }
  func.func @transform_0(%arg0: i32) -> (i32, i32) {
    %c0_i32 = arith.constant 0 : i32
    %c0_i32_0 = arith.constant 0 : i32
    return %arg0, %c0_i32 : i32, i32
  }
  func.func @transform_1(%arg0: i32) -> (i32, i32) {
    %c0_i32 = arith.constant 0 : i32
    %c0_i32_0 = arith.constant 0 : i32
    %c0_i32_1 = arith.constant 0 : i32
    return %c0_i32, %c0_i32_0 : i32, i32
  }
  func.func @transform_2(%arg0: i32) -> (i32, i32) {
    %c0_i32 = arith.constant 0 : i32
    %c0_i32_0 = arith.constant 0 : i32
    %c0_i32_1 = arith.constant 0 : i32
    return %c0_i32, %c0_i32_0 : i32, i32
  }
  func.func @transform_3(%arg0: i32) -> (i32, i32) {
    %c0_i32 = arith.constant 0 : i32
    %c0_i32_0 = arith.constant 0 : i32
    return %arg0, %c0_i32 : i32, i32
  }
  func.func @transform_4(%arg0: i32) -> (i32, i32) {
    %c0_i32 = arith.constant 0 : i32
    %c0_i32_0 = arith.constant 0 : i32
    return %arg0, %c0_i32 : i32, i32
  }
  func.func @transform_5(%arg0: i32) -> (i32, i32) {
    %c0_i32 = arith.constant 0 : i32
    %c0_i32_0 = arith.constant 0 : i32
    %c0_i32_1 = arith.constant 0 : i32
    return %c0_i32, %c0_i32_0 : i32, i32
  }
}

module attributes {stable_mosaic.version = 14 : i64} {
  func.func @_k3_body(%arg0: i32, %arg1: i32, %arg2: memref<1x128xf32, #tpu.memory_space<vmem>>, %arg3: memref<1x1024xf32, #tpu.memory_space<vmem>>, %arg4: memref<256x1xf32, #tpu.memory_space<vmem>>, %arg5: memref<256x1024xf32, #tpu.memory_space<vmem>>, %arg6: memref<1024x512xf32, #tpu.memory_space<vmem>>, %arg7: memref<1x512xf32, #tpu.memory_space<vmem>>, %arg8: memref<256x512xf32, #tpu.memory_space<vmem>>, %arg9: memref<256x512xf32, #tpu.memory_space<vmem>>, %arg10: memref<256x1xf32, #tpu.memory_space<vmem>>) attributes {dimension_semantics = [#tpu.dimension_semantics<parallel>, #tpu.dimension_semantics<arbitrary>], iteration_bounds = array<i64: 40, 10>, scalar_prefetch = 0 : i64, scratch_operands = 2 : i64, tpu.core_type = #tpu.core_type<tc>, window_params = [{pipeline_mode = #tpu.pipeline_mode<synchronous>, transform_indices = @transform_0, window_bounds = array<i64: 1, 128>}, {transform_indices = @transform_1, window_bounds = array<i64: 1, 1024>}, {transform_indices = @transform_2, window_bounds = array<i64: 256, 1>}, {transform_indices = @transform_3, window_bounds = array<i64: 256, 1024>}, {transform_indices = @transform_4, window_bounds = array<i64: 1024, 512>}, {pipeline_mode = #tpu.pipeline_mode<synchronous>, transform_indices = @transform_5, window_bounds = array<i64: 1, 512>}, {transform_indices = @transform_6, window_bounds = array<i64: 256, 512>}]} {
    %eq3A = arith.constant 0 : i32
    %eq3A_0 = arith.cmpi eq, %arg1, %eq3A : i32
    %convert_element_type3A = arith.extui %eq3A_0 : i1 to i32
    %cond3A = arith.constant 0 : i32
    %cond3A_1 = arith.cmpi ne, %convert_element_type3A, %cond3A : i32
    scf.if %cond3A_1 {
      %broadcast_in_dim3A_61 = arith.constant 0.000000e+00 : f32
      %broadcast_in_dim3A_62 = vector.broadcast %broadcast_in_dim3A_61 : f32 to vector<256x512xf32>
      %swap3A_63 = arith.constant 0 : index
      %swap3A_64 = arith.constant 0 : index
      %swap3A_65 = vector.load %arg9[%swap3A_63, %swap3A_64] : memref<256x512xf32, #tpu.memory_space<vmem>>, vector<256x512xf32>
      tpu.vector_store %arg9[%swap3A_63, %swap3A_64], %broadcast_in_dim3A_62 {strides = array<i32>} : memref<256x512xf32, #tpu.memory_space<vmem>>, vector<256x512xf32>,
      %broadcast_in_dim3A_66 = arith.constant 0.000000e+00 : f32
      %broadcast_in_dim3A_67 = vector.broadcast %broadcast_in_dim3A_66 : f32 to vector<256x1xf32>
      %swap3A_68 = arith.constant 0 : index
      %swap3A_69 = arith.constant 0 : index
      %swap3A_70 = vector.load %arg10[%swap3A_68, %swap3A_69] : memref<256x1xf32, #tpu.memory_space<vmem>>, vector<256x1xf32>
      tpu.vector_store %arg10[%swap3A_68, %swap3A_69], %broadcast_in_dim3A_67 {strides = array<i32>} : memref<256x1xf32, #tpu.memory_space<vmem>>, vector<256x1xf32>,
    } else {
    }
    %get3A = arith.constant 0 : index
    %get3A_2 = arith.constant 0 : index
    %get3A_3 = vector.load %arg3[%get3A, %get3A_2] : memref<1x1024xf32, #tpu.memory_space<vmem>>, vector<1x1024xf32>
    %get3A_4 = vector.shape_cast %get3A_3 : vector<1x1024xf32> to vector<1024xf32>
    %get3A_5 = arith.constant 0 : index
    %get3A_6 = arith.constant 0 : index
    %get3A_7 = vector.load %arg4[%get3A_5, %get3A_6] : memref<256x1xf32, #tpu.memory_space<vmem>>, vector<256x1xf32>
    %get3A_8 = vector.shape_cast %get3A_7 : vector<256x1xf32> to vector<256xf32>
    %get3A_9 = arith.constant 0 : index
    %get3A_10 = arith.constant 0 : index
    %get3A_11 = vector.load %arg2[%get3A_9, %get3A_10] : memref<1x128xf32, #tpu.memory_space<vmem>>, vector<1x1xf32>
    %get3A_12 = vector.extract %get3A_11[0, 0] : f32 from vector<1x1xf32>
    %broadcast_in_dim3A = vector.shape_cast %get3A_4 : vector<1024xf32> to vector<1x1024xf32>
    %broadcast_in_dim3A_13 = vector.shape_cast %get3A_8 : vector<256xf32> to vector<256x1xf32>
    %add3A = vector.broadcast %broadcast_in_dim3A : vector<1x1024xf32> to vector<256x1024xf32>
    %add3A_14 = vector.broadcast %broadcast_in_dim3A_13 : vector<256x1xf32> to vector<256x1024xf32>
    %add3A_15 = arith.addf %add3A, %add3A_14 : vector<256x1024xf32>
    %ge3A = arith.constant 0.000000e+00 : f32
    %ge3A_16 = vector.broadcast %ge3A : f32 to vector<256x1024xf32>
    %ge3A_17 = arith.cmpf oge, %add3A_15, %ge3A_16 : vector<256x1024xf32>
    %mul3A = arith.constant 2.000000e-01 : f32
    %mul3A_18 = vector.broadcast %mul3A : f32 to vector<256x1024xf32>
    %mul3A_19 = arith.mulf %mul3A_18, %add3A_15 : vector<256x1024xf32>
    %select_n3A = arith.select %ge3A_17, %add3A_15, %mul3A_19 : vector<256x1024xi1>, vector<256x1024xf32>
    %add3A_20 = vector.broadcast %get3A_12 : f32 to vector<256xf32>
    %add3A_21 = arith.addf %add3A_20, %get3A_8 : vector<256xf32>
    %ge3A_22 = arith.constant 0.000000e+00 : f32
    %ge3A_23 = vector.broadcast %ge3A_22 : f32 to vector<256xf32>
    %ge3A_24 = arith.cmpf oge, %add3A_21, %ge3A_23 : vector<256xf32>
    %mul3A_25 = arith.constant 2.000000e-01 : f32
    %mul3A_26 = vector.broadcast %mul3A_25 : f32 to vector<256xf32>
    %mul3A_27 = arith.mulf %mul3A_26, %add3A_21 : vector<256xf32>
    %select_n3A_28 = arith.select %ge3A_24, %add3A_21, %mul3A_27 : vector<256xi1>, vector<256xf32>
    %broadcast_in_dim3A_29 = vector.shape_cast %select_n3A_28 : vector<256xf32> to vector<256x1xf32>
    %sub3A = vector.broadcast %broadcast_in_dim3A_29 : vector<256x1xf32> to vector<256x1024xf32>
    %sub3A_30 = arith.subf %select_n3A, %sub3A : vector<256x1024xf32>
    %min3A = arith.constant 0.000000e+00 : f32
    %min3A_31 = vector.broadcast %min3A : f32 to vector<256x1024xf32>
    %min3A_32 = arith.minimumf %sub3A_30, %min3A_31 : vector<256x1024xf32>
    %get3A_33 = arith.constant 0 : index
    %get3A_34 = arith.constant 0 : index
    %get3A_35 = vector.load %arg5[%get3A_33, %get3A_34] : memref<256x1024xf32, #tpu.memory_space<vmem>>, vector<256x1024xf32>
    %exp3A = math.exp %min3A_32 : vector<256x1024xf32>
    %mul3A_36 = arith.mulf %get3A_35, %exp3A : vector<256x1024xf32>
    %get3A_37 = arith.constant 0 : index
    %get3A_38 = arith.constant 0 : index
    %get3A_39 = vector.load %arg9[%get3A_37, %get3A_38] : memref<256x512xf32, #tpu.memory_space<vmem>>, vector<256x512xf32>
    %get3A_40 = arith.constant 0 : index
    %get3A_41 = arith.constant 0 : index
    %get3A_42 = vector.load %arg6[%get3A_40, %get3A_41] : memref<1024x512xf32, #tpu.memory_space<vmem>>, vector<1024x512xf32>
    %dot_general3A = arith.constant dense<0.000000e+00> : vector<256x512xf32>
    %dot_general3A_43 = tpu.matmul %mul3A_36, %get3A_42, %dot_general3A {dimension_numbers = #tpu.dot_dimension_numbers<[1], [0], [0], [1], [0, 0, 1, 1], [], []>, transpose_lhs_hint = false} : vector<256x1024xf32>, vector<1024x512xf32>, vector<256x512xf32> -> vector<256x512xf32>
    %add3A_44 = arith.addf %get3A_39, %dot_general3A_43 : vector<256x512xf32>
    %swap3A = arith.constant 0 : index
    %swap3A_45 = arith.constant 0 : index
    %swap3A_46 = vector.load %arg9[%swap3A, %swap3A_45] : memref<256x512xf32, #tpu.memory_space<vmem>>, vector<256x512xf32>
    tpu.vector_store %arg9[%swap3A, %swap3A_45], %add3A_44 {strides = array<i32>} : memref<256x512xf32, #tpu.memory_space<vmem>>, vector<256x512xf32>,
    %get3A_47 = arith.constant 0 : index
    %get3A_48 = arith.constant 0 : index
    %get3A_49 = vector.load %arg10[%get3A_47, %get3A_48] : memref<256x1xf32, #tpu.memory_space<vmem>>, vector<256x1xf32>
    %reduce_sum3A = arith.constant dense<0.000000e+00> : vector<256xf32>
    %reduce_sum3A_50 = vector.multi_reduction <add>, %mul3A_36, %reduce_sum3A [1] : vector<256x1024xf32> to vector<256xf32>
    %broadcast_in_dim3A_51 = vector.shape_cast %reduce_sum3A_50 : vector<256xf32> to vector<256x1xf32>
    %add3A_52 = arith.addf %get3A_49, %broadcast_in_dim3A_51 : vector<256x1xf32>
    %swap3A_53 = arith.constant 0 : index
    %swap3A_54 = arith.constant 0 : index
    %swap3A_55 = vector.load %arg10[%swap3A_53, %swap3A_54] : memref<256x1xf32, #tpu.memory_space<vmem>>, vector<256x1xf32>
    tpu.vector_store %arg10[%swap3A_53, %swap3A_54], %add3A_52 {strides = array<i32>} : memref<256x1xf32, #tpu.memory_space<vmem>>, vector<256x1xf32>,
    %eq3A_56 = arith.constant 9 : i32
    %eq3A_57 = arith.cmpi eq, %arg1, %eq3A_56 : i32
    %convert_element_type3A_58 = arith.extui %eq3A_57 : i1 to i32
    %cond3A_59 = arith.constant 0 : i32
    %cond3A_60 = arith.cmpi ne, %convert_element_type3A_58, %cond3A_59 : i32
    scf.if %cond3A_60 {
      %get3A_61 = arith.constant 0 : index
      %get3A_62 = arith.constant 0 : index
      %get3A_63 = vector.load %arg9[%get3A_61, %get3A_62] : memref<256x512xf32, #tpu.memory_space<vmem>>, vector<256x512xf32>
      %get3A_64 = arith.constant 0 : index
      %get3A_65 = arith.constant 0 : index
      %get3A_66 = vector.load %arg10[%get3A_64, %get3A_65] : memref<256x1xf32, #tpu.memory_space<vmem>>, vector<256x1xf32>
      %add3A_67 = arith.constant 1.000000e-16 : f32
      %add3A_68 = vector.broadcast %add3A_67 : f32 to vector<256x1xf32>
      %add3A_69 = arith.addf %get3A_66, %add3A_68 : vector<256x1xf32>
      %div3A = vector.broadcast %add3A_69 : vector<256x1xf32> to vector<256x512xf32>
      %div3A_70 = arith.divf %get3A_63, %div3A : vector<256x512xf32>
      %get3A_71 = arith.constant 0 : index
      %get3A_72 = arith.constant 0 : index
      %get3A_73 = vector.load %arg7[%get3A_71, %get3A_72] : memref<1x512xf32, #tpu.memory_space<vmem>>, vector<1x512xf32>
      %get3A_74 = vector.shape_cast %get3A_73 : vector<1x512xf32> to vector<512xf32>
      %broadcast_in_dim3A_75 = vector.shape_cast %get3A_74 : vector<512xf32> to vector<1x512xf32>
      %add3A_76 = vector.broadcast %broadcast_in_dim3A_75 : vector<1x512xf32> to vector<256x512xf32>
      %add3A_77 = arith.addf %div3A_70, %add3A_76 : vector<256x512xf32>
      %max3A = arith.constant 0.000000e+00 : f32
      %max3A_78 = vector.broadcast %max3A : f32 to vector<256x512xf32>
      %max3A_79 = arith.maximumf %add3A_77, %max3A_78 : vector<256x512xf32>
      %swap3A_80 = arith.constant 0 : index
      %swap3A_81 = arith.constant 0 : index
      %swap3A_82 = vector.load %arg8[%swap3A_80, %swap3A_81] : memref<256x512xf32, #tpu.memory_space<vmem>>, vector<256x512xf32>
      tpu.vector_store %arg8[%swap3A_80, %swap3A_81], %max3A_79 {strides = array<i32>} : memref<256x512xf32, #tpu.memory_space<vmem>>, vector<256x512xf32>,
    } else {
    }
    return
  }
  func.func @transform_0(%arg0: i32, %arg1: i32) -> (i32, i32) {
    %c0_i32 = arith.constant 0 : i32
    %c0_i32_0 = arith.constant 0 : i32
    %c0_i32_1 = arith.constant 0 : i32
    return %c0_i32, %c0_i32_0 : i32, i32
  }
  func.func @transform_1(%arg0: i32, %arg1: i32) -> (i32, i32) {
    %c0_i32 = arith.constant 0 : i32
    %c0_i32_0 = arith.constant 0 : i32
    return %c0_i32, %arg1 : i32, i32
  }
  func.func @transform_2(%arg0: i32, %arg1: i32) -> (i32, i32) {
    %c0_i32 = arith.constant 0 : i32
    %c0_i32_0 = arith.constant 0 : i32
    return %arg0, %c0_i32 : i32, i32
  }
  func.func @transform_3(%arg0: i32, %arg1: i32) -> (i32, i32) {
    %c0_i32 = arith.constant 0 : i32
    return %arg0, %arg1 : i32, i32
  }
  func.func @transform_4(%arg0: i32, %arg1: i32) -> (i32, i32) {
    %c0_i32 = arith.constant 0 : i32
    %c0_i32_0 = arith.constant 0 : i32
    return %arg1, %c0_i32 : i32, i32
  }
  func.func @transform_5(%arg0: i32, %arg1: i32) -> (i32, i32) {
    %c0_i32 = arith.constant 0 : i32
    %c0_i32_0 = arith.constant 0 : i32
    %c0_i32_1 = arith.constant 0 : i32
    return %c0_i32, %c0_i32_0 : i32, i32
  }
  func.func @transform_6(%arg0: i32, %arg1: i32) -> (i32, i32) {
    %c0_i32 = arith.constant 0 : i32
    %c0_i32_0 = arith.constant 0 : i32
    return %arg0, %c0_i32 : i32, i32
  }
}

module attributes {stable_mosaic.version = 14 : i64} {
  func.func @_k1_body(%arg0: i32, %arg1: memref<256x512xf32, #tpu.memory_space<vmem>>, %arg2: memref<512x512xf32, #tpu.memory_space<vmem>>, %arg3: memref<512x128xf32, #tpu.memory_space<vmem>>, %arg4: memref<256x512xf32, #tpu.memory_space<vmem>>, %arg5: memref<256x128xf32, #tpu.memory_space<vmem>>, %arg6: memref<1x128xf32, #tpu.memory_space<vmem>>) attributes {dimension_semantics = [#tpu.dimension_semantics<arbitrary>], iteration_bounds = array<i64: 40>, scalar_prefetch = 0 : i64, scratch_operands = 0 : i64, tpu.core_type = #tpu.core_type<tc>, window_params = [{transform_indices = @transform_0, window_bounds = array<i64: 256, 512>}, {pipeline_mode = #tpu.pipeline_mode<synchronous>, transform_indices = @transform_1, window_bounds = array<i64: 512, 512>}, {pipeline_mode = #tpu.pipeline_mode<synchronous>, transform_indices = @transform_2, window_bounds = array<i64: 512, 128>}, {transform_indices = @transform_3, window_bounds = array<i64: 256, 512>}, {transform_indices = @transform_4, window_bounds = array<i64: 256, 128>}, {pipeline_mode = #tpu.pipeline_mode<synchronous>, transform_indices = @transform_5, window_bounds = array<i64: 1, 128>}]} {
    %get3A = arith.constant 0 : index
    %get3A_0 = arith.constant 0 : index
    %get3A_1 = vector.load %arg1[%get3A, %get3A_0] : memref<256x512xf32, #tpu.memory_space<vmem>>, vector<256x512xf32>
    %get3A_2 = arith.constant 0 : index
    %get3A_3 = arith.constant 0 : index
    %get3A_4 = vector.load %arg2[%get3A_2, %get3A_3] : memref<512x512xf32, #tpu.memory_space<vmem>>, vector<512x512xf32>
    %dot_general3A = arith.constant dense<0.000000e+00> : vector<256x512xf32>
    %dot_general3A_5 = tpu.matmul %get3A_1, %get3A_4, %dot_general3A {dimension_numbers = #tpu.dot_dimension_numbers<[1], [0], [0], [1], [0, 0, 1, 1], [], []>, transpose_lhs_hint = false} : vector<256x512xf32>, vector<512x512xf32>, vector<256x512xf32> -> vector<256x512xf32>
    %swap3A = arith.constant 0 : index
    %swap3A_6 = arith.constant 0 : index
    %swap3A_7 = vector.load %arg4[%swap3A, %swap3A_6] : memref<256x512xf32, #tpu.memory_space<vmem>>, vector<256x512xf32>
    tpu.vector_store %arg4[%swap3A, %swap3A_6], %dot_general3A_5 {strides = array<i32>} : memref<256x512xf32, #tpu.memory_space<vmem>>, vector<256x512xf32>,
    %get3A_8 = arith.constant 0 : index
    %get3A_9 = arith.constant 0 : index
    %get3A_10 = vector.load %arg3[%get3A_8, %get3A_9] : memref<512x128xf32, #tpu.memory_space<vmem>>, vector<512x128xf32>
    %dot_general3A_11 = arith.constant dense<0.000000e+00> : vector<256x128xf32>
    %dot_general3A_12 = tpu.matmul %dot_general3A_5, %get3A_10, %dot_general3A_11 {dimension_numbers = #tpu.dot_dimension_numbers<[1], [0], [0], [1], [0, 0, 1, 1], [], []>, transpose_lhs_hint = false} : vector<256x512xf32>, vector<512x128xf32>, vector<256x128xf32> -> vector<256x128xf32>
    %swap3A_13 = arith.constant 0 : index
    %swap3A_14 = arith.constant 0 : index
    %swap3A_15 = vector.load %arg5[%swap3A_13, %swap3A_14] : memref<256x128xf32, #tpu.memory_space<vmem>>, vector<256x128xf32>
    tpu.vector_store %arg5[%swap3A_13, %swap3A_14], %dot_general3A_12 {strides = array<i32>} : memref<256x128xf32, #tpu.memory_space<vmem>>, vector<256x128xf32>,
    %slice3A = vector.extract_strided_slice %dot_general3A_12 {offsets = [0, 0], sizes = [256, 1], strides = [1, 1]} : vector<256x128xf32> to vector<256x1xf32>
    %squeeze3A = vector.shape_cast %slice3A : vector<256x1xf32> to vector<256xf32>
    %reduce_max3A = vector.shape_cast %squeeze3A : vector<256xf32> to vector<1x256xf32>
    %reduce_max3A_16 = arith.constant dense<0xFF800000> : vector<1xf32>
    %reduce_max3A_17 = vector.multi_reduction <maximumf>, %reduce_max3A, %reduce_max3A_16 [1] : vector<1x256xf32> to vector<1xf32>
    %reduce_max3A_18 = vector.shape_cast %reduce_max3A_17 : vector<1xf32> to vector<1x1xf32>
    %reduce_max3A_19 = vector.extract %reduce_max3A_18[0, 0] : f32 from vector<1x1xf32>
    %broadcast_in_dim3A = vector.broadcast %reduce_max3A_19 : f32 to vector<1x128xf32>
    %eq3A = arith.constant 0 : i32
    %eq3A_20 = arith.cmpi eq, %arg0, %eq3A : i32
    %convert_element_type3A = arith.extui %eq3A_20 : i1 to i32
    %cond3A = arith.constant 0 : i32
    %cond3A_21 = arith.cmpi ne, %convert_element_type3A, %cond3A : i32
    scf.if %cond3A_21 {
      %swap3A_26 = arith.constant 0 : index
      %swap3A_27 = arith.constant 0 : index
      %swap3A_28 = vector.load %arg6[%swap3A_26, %swap3A_27] : memref<1x128xf32, #tpu.memory_space<vmem>>, vector<1x128xf32>
      tpu.vector_store %arg6[%swap3A_26, %swap3A_27], %broadcast_in_dim3A {strides = array<i32>} : memref<1x128xf32, #tpu.memory_space<vmem>>, vector<1x128xf32>,
    } else {
    }
    %gt3A = arith.constant 0 : i32
    %gt3A_22 = arith.cmpi sgt, %arg0, %gt3A : i32
    %convert_element_type3A_23 = arith.extui %gt3A_22 : i1 to i32
    %cond3A_24 = arith.constant 0 : i32
    %cond3A_25 = arith.cmpi ne, %convert_element_type3A_23, %cond3A_24 : i32
    scf.if %cond3A_25 {
      %get3A_26 = arith.constant 0 : index
      %get3A_27 = arith.constant 0 : index
      %get3A_28 = vector.load %arg6[%get3A_26, %get3A_27] : memref<1x128xf32, #tpu.memory_space<vmem>>, vector<1x128xf32>
      %max3A = arith.maximumf %get3A_28, %broadcast_in_dim3A : vector<1x128xf32>
      %swap3A_29 = arith.constant 0 : index
      %swap3A_30 = arith.constant 0 : index
      %swap3A_31 = vector.load %arg6[%swap3A_29, %swap3A_30] : memref<1x128xf32, #tpu.memory_space<vmem>>, vector<1x128xf32>
      tpu.vector_store %arg6[%swap3A_29, %swap3A_30], %max3A {strides = array<i32>} : memref<1x128xf32, #tpu.memory_space<vmem>>, vector<1x128xf32>,
    } else {
    }
    return
  }
  func.func @transform_0(%arg0: i32) -> (i32, i32) {
    %c0_i32 = arith.constant 0 : i32
    %c0_i32_0 = arith.constant 0 : i32
    return %arg0, %c0_i32 : i32, i32
  }
  func.func @transform_1(%arg0: i32) -> (i32, i32) {
    %c0_i32 = arith.constant 0 : i32
    %c0_i32_0 = arith.constant 0 : i32
    %c0_i32_1 = arith.constant 0 : i32
    return %c0_i32, %c0_i32_0 : i32, i32
  }
  func.func @transform_2(%arg0: i32) -> (i32, i32) {
    %c0_i32 = arith.constant 0 : i32
    %c0_i32_0 = arith.constant 0 : i32
    %c0_i32_1 = arith.constant 0 : i32
    return %c0_i32, %c0_i32_0 : i32, i32
  }
  func.func @transform_3(%arg0: i32) -> (i32, i32) {
    %c0_i32 = arith.constant 0 : i32
    %c0_i32_0 = arith.constant 0 : i32
    return %arg0, %c0_i32 : i32, i32
  }
  func.func @transform_4(%arg0: i32) -> (i32, i32) {
    %c0_i32 = arith.constant 0 : i32
    %c0_i32_0 = arith.constant 0 : i32
    return %arg0, %c0_i32 : i32, i32
  }
  func.func @transform_5(%arg0: i32) -> (i32, i32) {
    %c0_i32 = arith.constant 0 : i32
    %c0_i32_0 = arith.constant 0 : i32
    %c0_i32_1 = arith.constant 0 : i32
    return %c0_i32, %c0_i32_0 : i32, i32
  }
}

module attributes {stable_mosaic.version = 14 : i64} {
  func.func @_k1_body(%arg0: i32, %arg1: memref<256x512xf32, #tpu.memory_space<vmem>>, %arg2: memref<512x256xf32, #tpu.memory_space<vmem>>, %arg3: memref<256x128xf32, #tpu.memory_space<vmem>>, %arg4: memref<256x256xf32, #tpu.memory_space<vmem>>, %arg5: memref<256x128xf32, #tpu.memory_space<vmem>>, %arg6: memref<1x128xf32, #tpu.memory_space<vmem>>) attributes {dimension_semantics = [#tpu.dimension_semantics<arbitrary>], iteration_bounds = array<i64: 40>, scalar_prefetch = 0 : i64, scratch_operands = 0 : i64, tpu.core_type = #tpu.core_type<tc>, window_params = [{transform_indices = @transform_0, window_bounds = array<i64: 256, 512>}, {pipeline_mode = #tpu.pipeline_mode<synchronous>, transform_indices = @transform_1, window_bounds = array<i64: 512, 256>}, {pipeline_mode = #tpu.pipeline_mode<synchronous>, transform_indices = @transform_2, window_bounds = array<i64: 256, 128>}, {transform_indices = @transform_3, window_bounds = array<i64: 256, 256>}, {transform_indices = @transform_4, window_bounds = array<i64: 256, 128>}, {pipeline_mode = #tpu.pipeline_mode<synchronous>, transform_indices = @transform_5, window_bounds = array<i64: 1, 128>}]} {
    %get3A = arith.constant 0 : index
    %get3A_0 = arith.constant 0 : index
    %get3A_1 = vector.load %arg1[%get3A, %get3A_0] : memref<256x512xf32, #tpu.memory_space<vmem>>, vector<256x512xf32>
    %get3A_2 = arith.constant 0 : index
    %get3A_3 = arith.constant 0 : index
    %get3A_4 = vector.load %arg2[%get3A_2, %get3A_3] : memref<512x256xf32, #tpu.memory_space<vmem>>, vector<512x256xf32>
    %dot_general3A = arith.constant dense<0.000000e+00> : vector<256x256xf32>
    %dot_general3A_5 = tpu.matmul %get3A_1, %get3A_4, %dot_general3A {dimension_numbers = #tpu.dot_dimension_numbers<[1], [0], [0], [1], [0, 0, 1, 1], [], []>, transpose_lhs_hint = false} : vector<256x512xf32>, vector<512x256xf32>, vector<256x256xf32> -> vector<256x256xf32>
    %swap3A = arith.constant 0 : index
    %swap3A_6 = arith.constant 0 : index
    %swap3A_7 = vector.load %arg4[%swap3A, %swap3A_6] : memref<256x256xf32, #tpu.memory_space<vmem>>, vector<256x256xf32>
    tpu.vector_store %arg4[%swap3A, %swap3A_6], %dot_general3A_5 {strides = array<i32>} : memref<256x256xf32, #tpu.memory_space<vmem>>, vector<256x256xf32>,
    %get3A_8 = arith.constant 0 : index
    %get3A_9 = arith.constant 0 : index
    %get3A_10 = vector.load %arg3[%get3A_8, %get3A_9] : memref<256x128xf32, #tpu.memory_space<vmem>>, vector<256x128xf32>
    %dot_general3A_11 = arith.constant dense<0.000000e+00> : vector<256x128xf32>
    %dot_general3A_12 = tpu.matmul %dot_general3A_5, %get3A_10, %dot_general3A_11 {dimension_numbers = #tpu.dot_dimension_numbers<[1], [0], [0], [1], [0, 0, 1, 1], [], []>, transpose_lhs_hint = false} : vector<256x256xf32>, vector<256x128xf32>, vector<256x128xf32> -> vector<256x128xf32>
    %swap3A_13 = arith.constant 0 : index
    %swap3A_14 = arith.constant 0 : index
    %swap3A_15 = vector.load %arg5[%swap3A_13, %swap3A_14] : memref<256x128xf32, #tpu.memory_space<vmem>>, vector<256x128xf32>
    tpu.vector_store %arg5[%swap3A_13, %swap3A_14], %dot_general3A_12 {strides = array<i32>} : memref<256x128xf32, #tpu.memory_space<vmem>>, vector<256x128xf32>,
    %slice3A = vector.extract_strided_slice %dot_general3A_12 {offsets = [0, 0], sizes = [256, 1], strides = [1, 1]} : vector<256x128xf32> to vector<256x1xf32>
    %squeeze3A = vector.shape_cast %slice3A : vector<256x1xf32> to vector<256xf32>
    %reduce_max3A = vector.shape_cast %squeeze3A : vector<256xf32> to vector<1x256xf32>
    %reduce_max3A_16 = arith.constant dense<0xFF800000> : vector<1xf32>
    %reduce_max3A_17 = vector.multi_reduction <maximumf>, %reduce_max3A, %reduce_max3A_16 [1] : vector<1x256xf32> to vector<1xf32>
    %reduce_max3A_18 = vector.shape_cast %reduce_max3A_17 : vector<1xf32> to vector<1x1xf32>
    %reduce_max3A_19 = vector.extract %reduce_max3A_18[0, 0] : f32 from vector<1x1xf32>
    %broadcast_in_dim3A = vector.broadcast %reduce_max3A_19 : f32 to vector<1x128xf32>
    %eq3A = arith.constant 0 : i32
    %eq3A_20 = arith.cmpi eq, %arg0, %eq3A : i32
    %convert_element_type3A = arith.extui %eq3A_20 : i1 to i32
    %cond3A = arith.constant 0 : i32
    %cond3A_21 = arith.cmpi ne, %convert_element_type3A, %cond3A : i32
    scf.if %cond3A_21 {
      %swap3A_26 = arith.constant 0 : index
      %swap3A_27 = arith.constant 0 : index
      %swap3A_28 = vector.load %arg6[%swap3A_26, %swap3A_27] : memref<1x128xf32, #tpu.memory_space<vmem>>, vector<1x128xf32>
      tpu.vector_store %arg6[%swap3A_26, %swap3A_27], %broadcast_in_dim3A {strides = array<i32>} : memref<1x128xf32, #tpu.memory_space<vmem>>, vector<1x128xf32>,
    } else {
    }
    %gt3A = arith.constant 0 : i32
    %gt3A_22 = arith.cmpi sgt, %arg0, %gt3A : i32
    %convert_element_type3A_23 = arith.extui %gt3A_22 : i1 to i32
    %cond3A_24 = arith.constant 0 : i32
    %cond3A_25 = arith.cmpi ne, %convert_element_type3A_23, %cond3A_24 : i32
    scf.if %cond3A_25 {
      %get3A_26 = arith.constant 0 : index
      %get3A_27 = arith.constant 0 : index
      %get3A_28 = vector.load %arg6[%get3A_26, %get3A_27] : memref<1x128xf32, #tpu.memory_space<vmem>>, vector<1x128xf32>
      %max3A = arith.maximumf %get3A_28, %broadcast_in_dim3A : vector<1x128xf32>
      %swap3A_29 = arith.constant 0 : index
      %swap3A_30 = arith.constant 0 : index
      %swap3A_31 = vector.load %arg6[%swap3A_29, %swap3A_30] : memref<1x128xf32, #tpu.memory_space<vmem>>, vector<1x128xf32>
      tpu.vector_store %arg6[%swap3A_29, %swap3A_30], %max3A {strides = array<i32>} : memref<1x128xf32, #tpu.memory_space<vmem>>, vector<1x128xf32>,
    } else {
    }
    return
  }
  func.func @transform_0(%arg0: i32) -> (i32, i32) {
    %c0_i32 = arith.constant 0 : i32
    %c0_i32_0 = arith.constant 0 : i32
    return %arg0, %c0_i32 : i32, i32
  }
  func.func @transform_1(%arg0: i32) -> (i32, i32) {
    %c0_i32 = arith.constant 0 : i32
    %c0_i32_0 = arith.constant 0 : i32
    %c0_i32_1 = arith.constant 0 : i32
    return %c0_i32, %c0_i32_0 : i32, i32
  }
  func.func @transform_2(%arg0: i32) -> (i32, i32) {
    %c0_i32 = arith.constant 0 : i32
    %c0_i32_0 = arith.constant 0 : i32
    %c0_i32_1 = arith.constant 0 : i32
    return %c0_i32, %c0_i32_0 : i32, i32
  }
  func.func @transform_3(%arg0: i32) -> (i32, i32) {
    %c0_i32 = arith.constant 0 : i32
    %c0_i32_0 = arith.constant 0 : i32
    return %arg0, %c0_i32 : i32, i32
  }
  func.func @transform_4(%arg0: i32) -> (i32, i32) {
    %c0_i32 = arith.constant 0 : i32
    %c0_i32_0 = arith.constant 0 : i32
    return %arg0, %c0_i32 : i32, i32
  }
  func.func @transform_5(%arg0: i32) -> (i32, i32) {
    %c0_i32 = arith.constant 0 : i32
    %c0_i32_0 = arith.constant 0 : i32
    %c0_i32_1 = arith.constant 0 : i32
    return %c0_i32, %c0_i32_0 : i32, i32
  }
}

module attributes {stable_mosaic.version = 14 : i64} {
  func.func @_k3_body(%arg0: i32, %arg1: i32, %arg2: memref<1x128xf32, #tpu.memory_space<vmem>>, %arg3: memref<1x1024xf32, #tpu.memory_space<vmem>>, %arg4: memref<256x1xf32, #tpu.memory_space<vmem>>, %arg5: memref<256x1024xf32, #tpu.memory_space<vmem>>, %arg6: memref<1024x256xf32, #tpu.memory_space<vmem>>, %arg7: memref<1x256xf32, #tpu.memory_space<vmem>>, %arg8: memref<256x256xf32, #tpu.memory_space<vmem>>, %arg9: memref<256x256xf32, #tpu.memory_space<vmem>>, %arg10: memref<256x1xf32, #tpu.memory_space<vmem>>) attributes {dimension_semantics = [#tpu.dimension_semantics<parallel>, #tpu.dimension_semantics<arbitrary>], iteration_bounds = array<i64: 40, 10>, scalar_prefetch = 0 : i64, scratch_operands = 2 : i64, tpu.core_type = #tpu.core_type<tc>, window_params = [{pipeline_mode = #tpu.pipeline_mode<synchronous>, transform_indices = @transform_0, window_bounds = array<i64: 1, 128>}, {transform_indices = @transform_1, window_bounds = array<i64: 1, 1024>}, {transform_indices = @transform_2, window_bounds = array<i64: 256, 1>}, {transform_indices = @transform_3, window_bounds = array<i64: 256, 1024>}, {transform_indices = @transform_4, window_bounds = array<i64: 1024, 256>}, {pipeline_mode = #tpu.pipeline_mode<synchronous>, transform_indices = @transform_5, window_bounds = array<i64: 1, 256>}, {transform_indices = @transform_6, window_bounds = array<i64: 256, 256>}]} {
    %eq3A = arith.constant 0 : i32
    %eq3A_0 = arith.cmpi eq, %arg1, %eq3A : i32
    %convert_element_type3A = arith.extui %eq3A_0 : i1 to i32
    %cond3A = arith.constant 0 : i32
    %cond3A_1 = arith.cmpi ne, %convert_element_type3A, %cond3A : i32
    scf.if %cond3A_1 {
      %broadcast_in_dim3A_61 = arith.constant 0.000000e+00 : f32
      %broadcast_in_dim3A_62 = vector.broadcast %broadcast_in_dim3A_61 : f32 to vector<256x256xf32>
      %swap3A_63 = arith.constant 0 : index
      %swap3A_64 = arith.constant 0 : index
      %swap3A_65 = vector.load %arg9[%swap3A_63, %swap3A_64] : memref<256x256xf32, #tpu.memory_space<vmem>>, vector<256x256xf32>
      tpu.vector_store %arg9[%swap3A_63, %swap3A_64], %broadcast_in_dim3A_62 {strides = array<i32>} : memref<256x256xf32, #tpu.memory_space<vmem>>, vector<256x256xf32>,
      %broadcast_in_dim3A_66 = arith.constant 0.000000e+00 : f32
      %broadcast_in_dim3A_67 = vector.broadcast %broadcast_in_dim3A_66 : f32 to vector<256x1xf32>
      %swap3A_68 = arith.constant 0 : index
      %swap3A_69 = arith.constant 0 : index
      %swap3A_70 = vector.load %arg10[%swap3A_68, %swap3A_69] : memref<256x1xf32, #tpu.memory_space<vmem>>, vector<256x1xf32>
      tpu.vector_store %arg10[%swap3A_68, %swap3A_69], %broadcast_in_dim3A_67 {strides = array<i32>} : memref<256x1xf32, #tpu.memory_space<vmem>>, vector<256x1xf32>,
    } else {
    }
    %get3A = arith.constant 0 : index
    %get3A_2 = arith.constant 0 : index
    %get3A_3 = vector.load %arg3[%get3A, %get3A_2] : memref<1x1024xf32, #tpu.memory_space<vmem>>, vector<1x1024xf32>
    %get3A_4 = vector.shape_cast %get3A_3 : vector<1x1024xf32> to vector<1024xf32>
    %get3A_5 = arith.constant 0 : index
    %get3A_6 = arith.constant 0 : index
    %get3A_7 = vector.load %arg4[%get3A_5, %get3A_6] : memref<256x1xf32, #tpu.memory_space<vmem>>, vector<256x1xf32>
    %get3A_8 = vector.shape_cast %get3A_7 : vector<256x1xf32> to vector<256xf32>
    %get3A_9 = arith.constant 0 : index
    %get3A_10 = arith.constant 0 : index
    %get3A_11 = vector.load %arg2[%get3A_9, %get3A_10] : memref<1x128xf32, #tpu.memory_space<vmem>>, vector<1x1xf32>
    %get3A_12 = vector.extract %get3A_11[0, 0] : f32 from vector<1x1xf32>
    %broadcast_in_dim3A = vector.shape_cast %get3A_4 : vector<1024xf32> to vector<1x1024xf32>
    %broadcast_in_dim3A_13 = vector.shape_cast %get3A_8 : vector<256xf32> to vector<256x1xf32>
    %add3A = vector.broadcast %broadcast_in_dim3A : vector<1x1024xf32> to vector<256x1024xf32>
    %add3A_14 = vector.broadcast %broadcast_in_dim3A_13 : vector<256x1xf32> to vector<256x1024xf32>
    %add3A_15 = arith.addf %add3A, %add3A_14 : vector<256x1024xf32>
    %ge3A = arith.constant 0.000000e+00 : f32
    %ge3A_16 = vector.broadcast %ge3A : f32 to vector<256x1024xf32>
    %ge3A_17 = arith.cmpf oge, %add3A_15, %ge3A_16 : vector<256x1024xf32>
    %mul3A = arith.constant 2.000000e-01 : f32
    %mul3A_18 = vector.broadcast %mul3A : f32 to vector<256x1024xf32>
    %mul3A_19 = arith.mulf %mul3A_18, %add3A_15 : vector<256x1024xf32>
    %select_n3A = arith.select %ge3A_17, %add3A_15, %mul3A_19 : vector<256x1024xi1>, vector<256x1024xf32>
    %add3A_20 = vector.broadcast %get3A_12 : f32 to vector<256xf32>
    %add3A_21 = arith.addf %add3A_20, %get3A_8 : vector<256xf32>
    %ge3A_22 = arith.constant 0.000000e+00 : f32
    %ge3A_23 = vector.broadcast %ge3A_22 : f32 to vector<256xf32>
    %ge3A_24 = arith.cmpf oge, %add3A_21, %ge3A_23 : vector<256xf32>
    %mul3A_25 = arith.constant 2.000000e-01 : f32
    %mul3A_26 = vector.broadcast %mul3A_25 : f32 to vector<256xf32>
    %mul3A_27 = arith.mulf %mul3A_26, %add3A_21 : vector<256xf32>
    %select_n3A_28 = arith.select %ge3A_24, %add3A_21, %mul3A_27 : vector<256xi1>, vector<256xf32>
    %broadcast_in_dim3A_29 = vector.shape_cast %select_n3A_28 : vector<256xf32> to vector<256x1xf32>
    %sub3A = vector.broadcast %broadcast_in_dim3A_29 : vector<256x1xf32> to vector<256x1024xf32>
    %sub3A_30 = arith.subf %select_n3A, %sub3A : vector<256x1024xf32>
    %min3A = arith.constant 0.000000e+00 : f32
    %min3A_31 = vector.broadcast %min3A : f32 to vector<256x1024xf32>
    %min3A_32 = arith.minimumf %sub3A_30, %min3A_31 : vector<256x1024xf32>
    %get3A_33 = arith.constant 0 : index
    %get3A_34 = arith.constant 0 : index
    %get3A_35 = vector.load %arg5[%get3A_33, %get3A_34] : memref<256x1024xf32, #tpu.memory_space<vmem>>, vector<256x1024xf32>
    %exp3A = math.exp %min3A_32 : vector<256x1024xf32>
    %mul3A_36 = arith.mulf %get3A_35, %exp3A : vector<256x1024xf32>
    %get3A_37 = arith.constant 0 : index
    %get3A_38 = arith.constant 0 : index
    %get3A_39 = vector.load %arg9[%get3A_37, %get3A_38] : memref<256x256xf32, #tpu.memory_space<vmem>>, vector<256x256xf32>
    %get3A_40 = arith.constant 0 : index
    %get3A_41 = arith.constant 0 : index
    %get3A_42 = vector.load %arg6[%get3A_40, %get3A_41] : memref<1024x256xf32, #tpu.memory_space<vmem>>, vector<1024x256xf32>
    %dot_general3A = arith.constant dense<0.000000e+00> : vector<256x256xf32>
    %dot_general3A_43 = tpu.matmul %mul3A_36, %get3A_42, %dot_general3A {dimension_numbers = #tpu.dot_dimension_numbers<[1], [0], [0], [1], [0, 0, 1, 1], [], []>, transpose_lhs_hint = false} : vector<256x1024xf32>, vector<1024x256xf32>, vector<256x256xf32> -> vector<256x256xf32>
    %add3A_44 = arith.addf %get3A_39, %dot_general3A_43 : vector<256x256xf32>
    %swap3A = arith.constant 0 : index
    %swap3A_45 = arith.constant 0 : index
    %swap3A_46 = vector.load %arg9[%swap3A, %swap3A_45] : memref<256x256xf32, #tpu.memory_space<vmem>>, vector<256x256xf32>
    tpu.vector_store %arg9[%swap3A, %swap3A_45], %add3A_44 {strides = array<i32>} : memref<256x256xf32, #tpu.memory_space<vmem>>, vector<256x256xf32>,
    %get3A_47 = arith.constant 0 : index
    %get3A_48 = arith.constant 0 : index
    %get3A_49 = vector.load %arg10[%get3A_47, %get3A_48] : memref<256x1xf32, #tpu.memory_space<vmem>>, vector<256x1xf32>
    %reduce_sum3A = arith.constant dense<0.000000e+00> : vector<256xf32>
    %reduce_sum3A_50 = vector.multi_reduction <add>, %mul3A_36, %reduce_sum3A [1] : vector<256x1024xf32> to vector<256xf32>
    %broadcast_in_dim3A_51 = vector.shape_cast %reduce_sum3A_50 : vector<256xf32> to vector<256x1xf32>
    %add3A_52 = arith.addf %get3A_49, %broadcast_in_dim3A_51 : vector<256x1xf32>
    %swap3A_53 = arith.constant 0 : index
    %swap3A_54 = arith.constant 0 : index
    %swap3A_55 = vector.load %arg10[%swap3A_53, %swap3A_54] : memref<256x1xf32, #tpu.memory_space<vmem>>, vector<256x1xf32>
    tpu.vector_store %arg10[%swap3A_53, %swap3A_54], %add3A_52 {strides = array<i32>} : memref<256x1xf32, #tpu.memory_space<vmem>>, vector<256x1xf32>,
    %eq3A_56 = arith.constant 9 : i32
    %eq3A_57 = arith.cmpi eq, %arg1, %eq3A_56 : i32
    %convert_element_type3A_58 = arith.extui %eq3A_57 : i1 to i32
    %cond3A_59 = arith.constant 0 : i32
    %cond3A_60 = arith.cmpi ne, %convert_element_type3A_58, %cond3A_59 : i32
    scf.if %cond3A_60 {
      %get3A_61 = arith.constant 0 : index
      %get3A_62 = arith.constant 0 : index
      %get3A_63 = vector.load %arg9[%get3A_61, %get3A_62] : memref<256x256xf32, #tpu.memory_space<vmem>>, vector<256x256xf32>
      %get3A_64 = arith.constant 0 : index
      %get3A_65 = arith.constant 0 : index
      %get3A_66 = vector.load %arg10[%get3A_64, %get3A_65] : memref<256x1xf32, #tpu.memory_space<vmem>>, vector<256x1xf32>
      %add3A_67 = arith.constant 1.000000e-16 : f32
      %add3A_68 = vector.broadcast %add3A_67 : f32 to vector<256x1xf32>
      %add3A_69 = arith.addf %get3A_66, %add3A_68 : vector<256x1xf32>
      %div3A = vector.broadcast %add3A_69 : vector<256x1xf32> to vector<256x256xf32>
      %div3A_70 = arith.divf %get3A_63, %div3A : vector<256x256xf32>
      %get3A_71 = arith.constant 0 : index
      %get3A_72 = arith.constant 0 : index
      %get3A_73 = vector.load %arg7[%get3A_71, %get3A_72] : memref<1x256xf32, #tpu.memory_space<vmem>>, vector<1x256xf32>
      %get3A_74 = vector.shape_cast %get3A_73 : vector<1x256xf32> to vector<256xf32>
      %broadcast_in_dim3A_75 = vector.shape_cast %get3A_74 : vector<256xf32> to vector<1x256xf32>
      %add3A_76 = vector.broadcast %broadcast_in_dim3A_75 : vector<1x256xf32> to vector<256x256xf32>
      %add3A_77 = arith.addf %div3A_70, %add3A_76 : vector<256x256xf32>
      %swap3A_78 = arith.constant 0 : index
      %swap3A_79 = arith.constant 0 : index
      %swap3A_80 = vector.load %arg8[%swap3A_78, %swap3A_79] : memref<256x256xf32, #tpu.memory_space<vmem>>, vector<256x256xf32>
      tpu.vector_store %arg8[%swap3A_78, %swap3A_79], %add3A_77 {strides = array<i32>} : memref<256x256xf32, #tpu.memory_space<vmem>>, vector<256x256xf32>,
    } else {
    }
    return
  }
  func.func @transform_0(%arg0: i32, %arg1: i32) -> (i32, i32) {
    %c0_i32 = arith.constant 0 : i32
    %c0_i32_0 = arith.constant 0 : i32
    %c0_i32_1 = arith.constant 0 : i32
    return %c0_i32, %c0_i32_0 : i32, i32
  }
  func.func @transform_1(%arg0: i32, %arg1: i32) -> (i32, i32) {
    %c0_i32 = arith.constant 0 : i32
    %c0_i32_0 = arith.constant 0 : i32
    return %c0_i32, %arg1 : i32, i32
  }
  func.func @transform_2(%arg0: i32, %arg1: i32) -> (i32, i32) {
    %c0_i32 = arith.constant 0 : i32
    %c0_i32_0 = arith.constant 0 : i32
    return %arg0, %c0_i32 : i32, i32
  }
  func.func @transform_3(%arg0: i32, %arg1: i32) -> (i32, i32) {
    %c0_i32 = arith.constant 0 : i32
    return %arg0, %arg1 : i32, i32
  }
  func.func @transform_4(%arg0: i32, %arg1: i32) -> (i32, i32) {
    %c0_i32 = arith.constant 0 : i32
    %c0_i32_0 = arith.constant 0 : i32
    return %arg1, %c0_i32 : i32, i32
  }
  func.func @transform_5(%arg0: i32, %arg1: i32) -> (i32, i32) {
    %c0_i32 = arith.constant 0 : i32
    %c0_i32_0 = arith.constant 0 : i32
    %c0_i32_1 = arith.constant 0 : i32
    return %c0_i32, %c0_i32_0 : i32, i32
  }
  func.func @transform_6(%arg0: i32, %arg1: i32) -> (i32, i32) {
    %c0_i32 = arith.constant 0 : i32
    %c0_i32_0 = arith.constant 0 : i32
    return %arg0, %c0_i32 : i32, i32
  }
}

module attributes {stable_mosaic.version = 14 : i64} {
  func.func @_k4_body(%arg0: i32, %arg1: i32, %arg2: memref<256x1024xf32, #tpu.memory_space<vmem>>, %arg3: memref<1024x256xf32, #tpu.memory_space<vmem>>, %arg4: memref<256x128xf32, #tpu.memory_space<vmem>>, %arg5: memref<1x128xf32, #tpu.memory_space<vmem>>, %arg6: memref<128x128xf32, #tpu.memory_space<vmem>>, %arg7: memref<1x128xf32, #tpu.memory_space<vmem>>, %arg8: memref<256x128xf32, #tpu.memory_space<vmem>>, %arg9: memref<256x256xf32, #tpu.memory_space<vmem>>) attributes {dimension_semantics = [#tpu.dimension_semantics<parallel>, #tpu.dimension_semantics<arbitrary>], iteration_bounds = array<i64: 40, 10>, scalar_prefetch = 0 : i64, scratch_operands = 1 : i64, tpu.core_type = #tpu.core_type<tc>, window_params = [{transform_indices = @transform_0, window_bounds = array<i64: 256, 1024>}, {transform_indices = @transform_1, window_bounds = array<i64: 1024, 256>}, {pipeline_mode = #tpu.pipeline_mode<synchronous>, transform_indices = @transform_2, window_bounds = array<i64: 256, 128>}, {pipeline_mode = #tpu.pipeline_mode<synchronous>, transform_indices = @transform_3, window_bounds = array<i64: 1, 128>}, {pipeline_mode = #tpu.pipeline_mode<synchronous>, transform_indices = @transform_4, window_bounds = array<i64: 128, 128>}, {pipeline_mode = #tpu.pipeline_mode<synchronous>, transform_indices = @transform_5, window_bounds = array<i64: 1, 128>}, {transform_indices = @transform_6, window_bounds = array<i64: 256, 128>}]} {
    %eq3A = arith.constant 0 : i32
    %eq3A_0 = arith.cmpi eq, %arg1, %eq3A : i32
    %convert_element_type3A = arith.extui %eq3A_0 : i1 to i32
    %cond3A = arith.constant 0 : i32
    %cond3A_1 = arith.cmpi ne, %convert_element_type3A, %cond3A : i32
    scf.if %cond3A_1 {
      %broadcast_in_dim3A = arith.constant 0.000000e+00 : f32
      %broadcast_in_dim3A_18 = vector.broadcast %broadcast_in_dim3A : f32 to vector<256x256xf32>
      %swap3A_19 = arith.constant 0 : index
      %swap3A_20 = arith.constant 0 : index
      %swap3A_21 = vector.load %arg9[%swap3A_19, %swap3A_20] : memref<256x256xf32, #tpu.memory_space<vmem>>, vector<256x256xf32>
      tpu.vector_store %arg9[%swap3A_19, %swap3A_20], %broadcast_in_dim3A_18 {strides = array<i32>} : memref<256x256xf32, #tpu.memory_space<vmem>>, vector<256x256xf32>,
    } else {
    }
    %get3A = arith.constant 0 : index
    %get3A_2 = arith.constant 0 : index
    %get3A_3 = vector.load %arg9[%get3A, %get3A_2] : memref<256x256xf32, #tpu.memory_space<vmem>>, vector<256x256xf32>
    %get3A_4 = arith.constant 0 : index
    %get3A_5 = arith.constant 0 : index
    %get3A_6 = vector.load %arg2[%get3A_4, %get3A_5] : memref<256x1024xf32, #tpu.memory_space<vmem>>, vector<256x1024xf32>
    %get3A_7 = arith.constant 0 : index
    %get3A_8 = arith.constant 0 : index
    %get3A_9 = vector.load %arg3[%get3A_7, %get3A_8] : memref<1024x256xf32, #tpu.memory_space<vmem>>, vector<1024x256xf32>
    %dot_general3A = arith.constant dense<0.000000e+00> : vector<256x256xf32>
    %dot_general3A_10 = tpu.matmul %get3A_6, %get3A_9, %dot_general3A {dimension_numbers = #tpu.dot_dimension_numbers<[1], [0], [0], [1], [0, 0, 1, 1], [], []>, transpose_lhs_hint = false} : vector<256x1024xf32>, vector<1024x256xf32>, vector<256x256xf32> -> vector<256x256xf32>
    %add3A = arith.addf %get3A_3, %dot_general3A_10 : vector<256x256xf32>
    %swap3A = arith.constant 0 : index
    %swap3A_11 = arith.constant 0 : index
    %swap3A_12 = vector.load %arg9[%swap3A, %swap3A_11] : memref<256x256xf32, #tpu.memory_space<vmem>>, vector<256x256xf32>
    tpu.vector_store %arg9[%swap3A, %swap3A_11], %add3A {strides = array<i32>} : memref<256x256xf32, #tpu.memory_space<vmem>>, vector<256x256xf32>,
    %eq3A_13 = arith.constant 9 : i32
    %eq3A_14 = arith.cmpi eq, %arg1, %eq3A_13 : i32
    %convert_element_type3A_15 = arith.extui %eq3A_14 : i1 to i32
    %cond3A_16 = arith.constant 0 : i32
    %cond3A_17 = arith.cmpi ne, %convert_element_type3A_15, %cond3A_16 : i32
    scf.if %cond3A_17 {
      %get3A_18 = arith.constant 0 : index
      %get3A_19 = arith.constant 0 : index
      %get3A_20 = vector.load %arg9[%get3A_18, %get3A_19] : memref<256x256xf32, #tpu.memory_space<vmem>>, vector<256x256xf32>
      %get3A_21 = arith.constant 0 : index
      %get3A_22 = arith.constant 0 : index
      %get3A_23 = vector.load %arg4[%get3A_21, %get3A_22] : memref<256x128xf32, #tpu.memory_space<vmem>>, vector<256x128xf32>
      %dot_general3A_24 = arith.constant dense<0.000000e+00> : vector<256x128xf32>
      %dot_general3A_25 = tpu.matmul %get3A_20, %get3A_23, %dot_general3A_24 {dimension_numbers = #tpu.dot_dimension_numbers<[1], [0], [0], [1], [0, 0, 1, 1], [], []>, transpose_lhs_hint = false} : vector<256x256xf32>, vector<256x128xf32>, vector<256x128xf32> -> vector<256x128xf32>
      %get3A_26 = arith.constant 0 : index
      %get3A_27 = arith.constant 0 : index
      %get3A_28 = vector.load %arg5[%get3A_26, %get3A_27] : memref<1x128xf32, #tpu.memory_space<vmem>>, vector<1x128xf32>
      %get3A_29 = vector.shape_cast %get3A_28 : vector<1x128xf32> to vector<128xf32>
      %broadcast_in_dim3A = vector.shape_cast %get3A_29 : vector<128xf32> to vector<1x128xf32>
      %add3A_30 = vector.broadcast %broadcast_in_dim3A : vector<1x128xf32> to vector<256x128xf32>
      %add3A_31 = arith.addf %dot_general3A_25, %add3A_30 : vector<256x128xf32>
      %max3A = arith.constant 0.000000e+00 : f32
      %max3A_32 = vector.broadcast %max3A : f32 to vector<256x128xf32>
      %max3A_33 = arith.maximumf %add3A_31, %max3A_32 : vector<256x128xf32>
      %get3A_34 = arith.constant 0 : index
      %get3A_35 = arith.constant 0 : index
      %get3A_36 = vector.load %arg6[%get3A_34, %get3A_35] : memref<128x128xf32, #tpu.memory_space<vmem>>, vector<128x128xf32>
      %dot_general3A_37 = arith.constant dense<0.000000e+00> : vector<256x128xf32>
      %dot_general3A_38 = tpu.matmul %max3A_33, %get3A_36, %dot_general3A_37 {dimension_numbers = #tpu.dot_dimension_numbers<[1], [0], [0], [1], [0, 0, 1, 1], [], []>, transpose_lhs_hint = false} : vector<256x128xf32>, vector<128x128xf32>, vector<256x128xf32> -> vector<256x128xf32>
      %get3A_39 = arith.constant 0 : index
      %get3A_40 = arith.constant 0 : index
      %get3A_41 = vector.load %arg7[%get3A_39, %get3A_40] : memref<1x128xf32, #tpu.memory_space<vmem>>, vector<1x128xf32>
      %get3A_42 = vector.shape_cast %get3A_41 : vector<1x128xf32> to vector<128xf32>
      %broadcast_in_dim3A_43 = vector.shape_cast %get3A_42 : vector<128xf32> to vector<1x128xf32>
      %add3A_44 = vector.broadcast %broadcast_in_dim3A_43 : vector<1x128xf32> to vector<256x128xf32>
      %add3A_45 = arith.addf %dot_general3A_38, %add3A_44 : vector<256x128xf32>
      %max3A_46 = arith.constant 0.000000e+00 : f32
      %max3A_47 = vector.broadcast %max3A_46 : f32 to vector<256x128xf32>
      %max3A_48 = arith.maximumf %add3A_45, %max3A_47 : vector<256x128xf32>
      %swap3A_49 = arith.constant 0 : index
      %swap3A_50 = arith.constant 0 : index
      %swap3A_51 = vector.load %arg8[%swap3A_49, %swap3A_50] : memref<256x128xf32, #tpu.memory_space<vmem>>, vector<256x128xf32>
      tpu.vector_store %arg8[%swap3A_49, %swap3A_50], %max3A_48 {strides = array<i32>} : memref<256x128xf32, #tpu.memory_space<vmem>>, vector<256x128xf32>,
    } else {
    }
    return
  }
  func.func @transform_0(%arg0: i32, %arg1: i32) -> (i32, i32) {
    %c0_i32 = arith.constant 0 : i32
    return %arg0, %arg1 : i32, i32
  }
  func.func @transform_1(%arg0: i32, %arg1: i32) -> (i32, i32) {
    %c0_i32 = arith.constant 0 : i32
    %c0_i32_0 = arith.constant 0 : i32
    return %arg1, %c0_i32 : i32, i32
  }
  func.func @transform_2(%arg0: i32, %arg1: i32) -> (i32, i32) {
    %c0_i32 = arith.constant 0 : i32
    %c0_i32_0 = arith.constant 0 : i32
    %c0_i32_1 = arith.constant 0 : i32
    return %c0_i32, %c0_i32_0 : i32, i32
  }
  func.func @transform_3(%arg0: i32, %arg1: i32) -> (i32, i32) {
    %c0_i32 = arith.constant 0 : i32
    %c0_i32_0 = arith.constant 0 : i32
    %c0_i32_1 = arith.constant 0 : i32
    return %c0_i32, %c0_i32_0 : i32, i32
  }
  func.func @transform_4(%arg0: i32, %arg1: i32) -> (i32, i32) {
    %c0_i32 = arith.constant 0 : i32
    %c0_i32_0 = arith.constant 0 : i32
    %c0_i32_1 = arith.constant 0 : i32
    return %c0_i32, %c0_i32_0 : i32, i32
  }
  func.func @transform_5(%arg0: i32, %arg1: i32) -> (i32, i32) {
    %c0_i32 = arith.constant 0 : i32
    %c0_i32_0 = arith.constant 0 : i32
    %c0_i32_1 = arith.constant 0 : i32
    return %c0_i32, %c0_i32_0 : i32, i32
  }
  func.func @transform_6(%arg0: i32, %arg1: i32) -> (i32, i32) {
    %c0_i32 = arith.constant 0 : i32
    %c0_i32_0 = arith.constant 0 : i32
    return %arg0, %c0_i32 : i32, i32
  }
}

module attributes {stable_mosaic.version = 14 : i64} {
  func.func @_k4_body(%arg0: i32, %arg1: i32, %arg2: memref<256x1024xf32, #tpu.memory_space<vmem>>, %arg3: memref<1024x128xf32, #tpu.memory_space<vmem>>, %arg4: memref<128x64xf32, #tpu.memory_space<vmem>>, %arg5: memref<1x64xf32, #tpu.memory_space<vmem>>, %arg6: memref<64x64xf32, #tpu.memory_space<vmem>>, %arg7: memref<1x64xf32, #tpu.memory_space<vmem>>, %arg8: memref<64x10xf32, #tpu.memory_space<vmem>>, %arg9: memref<1x10xf32, #tpu.memory_space<vmem>>, %arg10: memref<10x1xf32, #tpu.memory_space<vmem>>, %arg11: memref<1x1xf32, #tpu.memory_space<vmem>>, %arg12: memref<256x1xf32, #tpu.memory_space<vmem>>, %arg13: memref<256x128xf32, #tpu.memory_space<vmem>>) attributes {dimension_semantics = [#tpu.dimension_semantics<parallel>, #tpu.dimension_semantics<arbitrary>], iteration_bounds = array<i64: 40, 10>, scalar_prefetch = 0 : i64, scratch_operands = 1 : i64, tpu.core_type = #tpu.core_type<tc>, window_params = [{transform_indices = @transform_0, window_bounds = array<i64: 256, 1024>}, {transform_indices = @transform_1, window_bounds = array<i64: 1024, 128>}, {pipeline_mode = #tpu.pipeline_mode<synchronous>, transform_indices = @transform_2, window_bounds = array<i64: 128, 64>}, {pipeline_mode = #tpu.pipeline_mode<synchronous>, transform_indices = @transform_3, window_bounds = array<i64: 1, 64>}, {pipeline_mode = #tpu.pipeline_mode<synchronous>, transform_indices = @transform_4, window_bounds = array<i64: 64, 64>}, {pipeline_mode = #tpu.pipeline_mode<synchronous>, transform_indices = @transform_5, window_bounds = array<i64: 1, 64>}, {pipeline_mode = #tpu.pipeline_mode<synchronous>, transform_indices = @transform_6, window_bounds = array<i64: 64, 10>}, {pipeline_mode = #tpu.pipeline_mode<synchronous>, transform_indices = @transform_7, window_bounds = array<i64: 1, 10>}, {pipeline_mode = #tpu.pipeline_mode<synchronous>, transform_indices = @transform_8, window_bounds = array<i64: 10, 1>}, {pipeline_mode = #tpu.pipeline_mode<synchronous>, transform_indices = @transform_9, window_bounds = array<i64: 1, 1>}, {transform_indices = @transform_10, window_bounds = array<i64: 256, 1>}]} {
    %eq3A = arith.constant 0 : i32
    %eq3A_0 = arith.cmpi eq, %arg1, %eq3A : i32
    %convert_element_type3A = arith.extui %eq3A_0 : i1 to i32
    %cond3A = arith.constant 0 : i32
    %cond3A_1 = arith.cmpi ne, %convert_element_type3A, %cond3A : i32
    scf.if %cond3A_1 {
      %broadcast_in_dim3A = arith.constant 0.000000e+00 : f32
      %broadcast_in_dim3A_18 = vector.broadcast %broadcast_in_dim3A : f32 to vector<256x128xf32>
      %swap3A_19 = arith.constant 0 : index
      %swap3A_20 = arith.constant 0 : index
      %swap3A_21 = vector.load %arg13[%swap3A_19, %swap3A_20] : memref<256x128xf32, #tpu.memory_space<vmem>>, vector<256x128xf32>
      tpu.vector_store %arg13[%swap3A_19, %swap3A_20], %broadcast_in_dim3A_18 {strides = array<i32>} : memref<256x128xf32, #tpu.memory_space<vmem>>, vector<256x128xf32>,
    } else {
    }
    %get3A = arith.constant 0 : index
    %get3A_2 = arith.constant 0 : index
    %get3A_3 = vector.load %arg13[%get3A, %get3A_2] : memref<256x128xf32, #tpu.memory_space<vmem>>, vector<256x128xf32>
    %get3A_4 = arith.constant 0 : index
    %get3A_5 = arith.constant 0 : index
    %get3A_6 = vector.load %arg2[%get3A_4, %get3A_5] : memref<256x1024xf32, #tpu.memory_space<vmem>>, vector<256x1024xf32>
    %get3A_7 = arith.constant 0 : index
    %get3A_8 = arith.constant 0 : index
    %get3A_9 = vector.load %arg3[%get3A_7, %get3A_8] : memref<1024x128xf32, #tpu.memory_space<vmem>>, vector<1024x128xf32>
    %dot_general3A = arith.constant dense<0.000000e+00> : vector<256x128xf32>
    %dot_general3A_10 = tpu.matmul %get3A_6, %get3A_9, %dot_general3A {dimension_numbers = #tpu.dot_dimension_numbers<[1], [0], [0], [1], [0, 0, 1, 1], [], []>, transpose_lhs_hint = false} : vector<256x1024xf32>, vector<1024x128xf32>, vector<256x128xf32> -> vector<256x128xf32>
    %add3A = arith.addf %get3A_3, %dot_general3A_10 : vector<256x128xf32>
    %swap3A = arith.constant 0 : index
    %swap3A_11 = arith.constant 0 : index
    %swap3A_12 = vector.load %arg13[%swap3A, %swap3A_11] : memref<256x128xf32, #tpu.memory_space<vmem>>, vector<256x128xf32>
    tpu.vector_store %arg13[%swap3A, %swap3A_11], %add3A {strides = array<i32>} : memref<256x128xf32, #tpu.memory_space<vmem>>, vector<256x128xf32>,
    %eq3A_13 = arith.constant 9 : i32
    %eq3A_14 = arith.cmpi eq, %arg1, %eq3A_13 : i32
    %convert_element_type3A_15 = arith.extui %eq3A_14 : i1 to i32
    %cond3A_16 = arith.constant 0 : i32
    %cond3A_17 = arith.cmpi ne, %convert_element_type3A_15, %cond3A_16 : i32
    scf.if %cond3A_17 {
      %get3A_18 = arith.constant 0 : index
      %get3A_19 = arith.constant 0 : index
      %get3A_20 = vector.load %arg13[%get3A_18, %get3A_19] : memref<256x128xf32, #tpu.memory_space<vmem>>, vector<256x128xf32>
      %get3A_21 = arith.constant 0 : index
      %get3A_22 = arith.constant 0 : index
      %get3A_23 = vector.load %arg4[%get3A_21, %get3A_22] : memref<128x64xf32, #tpu.memory_space<vmem>>, vector<128x64xf32>
      %dot_general3A_24 = arith.constant dense<0.000000e+00> : vector<256x64xf32>
      %dot_general3A_25 = tpu.matmul %get3A_20, %get3A_23, %dot_general3A_24 {dimension_numbers = #tpu.dot_dimension_numbers<[1], [0], [0], [1], [0, 0, 1, 1], [], []>, transpose_lhs_hint = false} : vector<256x128xf32>, vector<128x64xf32>, vector<256x64xf32> -> vector<256x64xf32>
      %get3A_26 = arith.constant 0 : index
      %get3A_27 = arith.constant 0 : index
      %get3A_28 = vector.load %arg5[%get3A_26, %get3A_27] : memref<1x64xf32, #tpu.memory_space<vmem>>, vector<1x64xf32>
      %get3A_29 = vector.shape_cast %get3A_28 : vector<1x64xf32> to vector<64xf32>
      %broadcast_in_dim3A = vector.shape_cast %get3A_29 : vector<64xf32> to vector<1x64xf32>
      %add3A_30 = vector.broadcast %broadcast_in_dim3A : vector<1x64xf32> to vector<256x64xf32>
      %add3A_31 = arith.addf %dot_general3A_25, %add3A_30 : vector<256x64xf32>
      %max3A = arith.constant 0.000000e+00 : f32
      %max3A_32 = vector.broadcast %max3A : f32 to vector<256x64xf32>
      %max3A_33 = arith.maximumf %add3A_31, %max3A_32 : vector<256x64xf32>
      %get3A_34 = arith.constant 0 : index
      %get3A_35 = arith.constant 0 : index
      %get3A_36 = vector.load %arg6[%get3A_34, %get3A_35] : memref<64x64xf32, #tpu.memory_space<vmem>>, vector<64x64xf32>
      %dot_general3A_37 = arith.constant dense<0.000000e+00> : vector<256x64xf32>
      %dot_general3A_38 = tpu.matmul %max3A_33, %get3A_36, %dot_general3A_37 {dimension_numbers = #tpu.dot_dimension_numbers<[1], [0], [0], [1], [0, 0, 1, 1], [], []>, transpose_lhs_hint = false} : vector<256x64xf32>, vector<64x64xf32>, vector<256x64xf32> -> vector<256x64xf32>
      %get3A_39 = arith.constant 0 : index
      %get3A_40 = arith.constant 0 : index
      %get3A_41 = vector.load %arg7[%get3A_39, %get3A_40] : memref<1x64xf32, #tpu.memory_space<vmem>>, vector<1x64xf32>
      %get3A_42 = vector.shape_cast %get3A_41 : vector<1x64xf32> to vector<64xf32>
      %broadcast_in_dim3A_43 = vector.shape_cast %get3A_42 : vector<64xf32> to vector<1x64xf32>
      %add3A_44 = vector.broadcast %broadcast_in_dim3A_43 : vector<1x64xf32> to vector<256x64xf32>
      %add3A_45 = arith.addf %dot_general3A_38, %add3A_44 : vector<256x64xf32>
      %get3A_46 = arith.constant 0 : index
      %get3A_47 = arith.constant 0 : index
      %get3A_48 = vector.load %arg8[%get3A_46, %get3A_47] : memref<64x10xf32, #tpu.memory_space<vmem>>, vector<64x10xf32>
      %dot_general3A_49 = arith.constant dense<0.000000e+00> : vector<256x10xf32>
      %dot_general3A_50 = tpu.matmul %add3A_45, %get3A_48, %dot_general3A_49 {dimension_numbers = #tpu.dot_dimension_numbers<[1], [0], [0], [1], [0, 0, 1, 1], [], []>, transpose_lhs_hint = false} : vector<256x64xf32>, vector<64x10xf32>, vector<256x10xf32> -> vector<256x10xf32>
      %get3A_51 = arith.constant 0 : index
      %get3A_52 = arith.constant 0 : index
      %get3A_53 = vector.load %arg9[%get3A_51, %get3A_52] : memref<1x10xf32, #tpu.memory_space<vmem>>, vector<1x10xf32>
      %get3A_54 = vector.shape_cast %get3A_53 : vector<1x10xf32> to vector<10xf32>
      %broadcast_in_dim3A_55 = vector.shape_cast %get3A_54 : vector<10xf32> to vector<1x10xf32>
      %add3A_56 = vector.broadcast %broadcast_in_dim3A_55 : vector<1x10xf32> to vector<256x10xf32>
      %add3A_57 = arith.addf %dot_general3A_50, %add3A_56 : vector<256x10xf32>
      %ge3A = arith.constant 0.000000e+00 : f32
      %ge3A_58 = vector.broadcast %ge3A : f32 to vector<256x10xf32>
      %ge3A_59 = arith.cmpf oge, %add3A_57, %ge3A_58 : vector<256x10xf32>
      %mul3A = arith.constant 0.00999999977 : f32
      %mul3A_60 = vector.broadcast %mul3A : f32 to vector<256x10xf32>
      %mul3A_61 = arith.mulf %mul3A_60, %add3A_57 : vector<256x10xf32>
      %select_n3A = arith.select %ge3A_59, %add3A_57, %mul3A_61 : vector<256x10xi1>, vector<256x10xf32>
      %get3A_62 = arith.constant 0 : index
      %get3A_63 = arith.constant 0 : index
      %get3A_64 = vector.load %arg10[%get3A_62, %get3A_63] : memref<10x1xf32, #tpu.memory_space<vmem>>, vector<10x1xf32>
      %dot_general3A_65 = arith.constant dense<0.000000e+00> : vector<256x1xf32>
      %dot_general3A_66 = tpu.matmul %select_n3A, %get3A_64, %dot_general3A_65 {dimension_numbers = #tpu.dot_dimension_numbers<[1], [0], [0], [1], [0, 0, 1, 1], [], []>, transpose_lhs_hint = false} : vector<256x10xf32>, vector<10x1xf32>, vector<256x1xf32> -> vector<256x1xf32>
      %get3A_67 = arith.constant 0 : index
      %get3A_68 = arith.constant 0 : index
      %get3A_69 = vector.load %arg11[%get3A_67, %get3A_68] : memref<1x1xf32, #tpu.memory_space<vmem>>, vector<1x1xf32>
      %get3A_70 = vector.shape_cast %get3A_69 : vector<1x1xf32> to vector<1xf32>
      %broadcast_in_dim3A_71 = vector.shape_cast %get3A_70 : vector<1xf32> to vector<1x1xf32>
      %add3A_72 = vector.broadcast %broadcast_in_dim3A_71 : vector<1x1xf32> to vector<256x1xf32>
      %add3A_73 = arith.addf %dot_general3A_66, %add3A_72 : vector<256x1xf32>
      %swap3A_74 = arith.constant 0 : index
      %swap3A_75 = arith.constant 0 : index
      %swap3A_76 = vector.load %arg12[%swap3A_74, %swap3A_75] : memref<256x1xf32, #tpu.memory_space<vmem>>, vector<256x1xf32>
      tpu.vector_store %arg12[%swap3A_74, %swap3A_75], %add3A_73 {strides = array<i32>} : memref<256x1xf32, #tpu.memory_space<vmem>>, vector<256x1xf32>,
    } else {
    }
    return
  }
  func.func @transform_0(%arg0: i32, %arg1: i32) -> (i32, i32) {
    %c0_i32 = arith.constant 0 : i32
    return %arg0, %arg1 : i32, i32
  }
  func.func @transform_1(%arg0: i32, %arg1: i32) -> (i32, i32) {
    %c0_i32 = arith.constant 0 : i32
    %c0_i32_0 = arith.constant 0 : i32
    return %arg1, %c0_i32 : i32, i32
  }
  func.func @transform_2(%arg0: i32, %arg1: i32) -> (i32, i32) {
    %c0_i32 = arith.constant 0 : i32
    %c0_i32_0 = arith.constant 0 : i32
    %c0_i32_1 = arith.constant 0 : i32
    return %c0_i32, %c0_i32_0 : i32, i32
  }
  func.func @transform_3(%arg0: i32, %arg1: i32) -> (i32, i32) {
    %c0_i32 = arith.constant 0 : i32
    %c0_i32_0 = arith.constant 0 : i32
    %c0_i32_1 = arith.constant 0 : i32
    return %c0_i32, %c0_i32_0 : i32, i32
  }
  func.func @transform_4(%arg0: i32, %arg1: i32) -> (i32, i32) {
    %c0_i32 = arith.constant 0 : i32
    %c0_i32_0 = arith.constant 0 : i32
    %c0_i32_1 = arith.constant 0 : i32
    return %c0_i32, %c0_i32_0 : i32, i32
  }
  func.func @transform_5(%arg0: i32, %arg1: i32) -> (i32, i32) {
    %c0_i32 = arith.constant 0 : i32
    %c0_i32_0 = arith.constant 0 : i32
    %c0_i32_1 = arith.constant 0 : i32
    return %c0_i32, %c0_i32_0 : i32, i32
  }
  func.func @transform_6(%arg0: i32, %arg1: i32) -> (i32, i32) {
    %c0_i32 = arith.constant 0 : i32
    %c0_i32_0 = arith.constant 0 : i32
    %c0_i32_1 = arith.constant 0 : i32
    return %c0_i32, %c0_i32_0 : i32, i32
  }
  func.func @transform_7(%arg0: i32, %arg1: i32) -> (i32, i32) {
    %c0_i32 = arith.constant 0 : i32
    %c0_i32_0 = arith.constant 0 : i32
    %c0_i32_1 = arith.constant 0 : i32
    return %c0_i32, %c0_i32_0 : i32, i32
  }
  func.func @transform_8(%arg0: i32, %arg1: i32) -> (i32, i32) {
    %c0_i32 = arith.constant 0 : i32
    %c0_i32_0 = arith.constant 0 : i32
    %c0_i32_1 = arith.constant 0 : i32
    return %c0_i32, %c0_i32_0 : i32, i32
  }
  func.func @transform_9(%arg0: i32, %arg1: i32) -> (i32, i32) {
    %c0_i32 = arith.constant 0 : i32
    %c0_i32_0 = arith.constant 0 : i32
    %c0_i32_1 = arith.constant 0 : i32
    return %c0_i32, %c0_i32_0 : i32, i32
  }
  func.func @transform_10(%arg0: i32, %arg1: i32) -> (i32, i32) {
    %c0_i32 = arith.constant 0 : i32
    %c0_i32_0 = arith.constant 0 : i32
    return %arg0, %c0_i32 : i32, i32
  }
}

</mosaic_0001>

<sc_bundles>
// kernel: scatter_offload_async_start
scs
__scs_entry_jumppad:
0x0: {  	(pc) =	sbr.rel $0x88, $3  }
0x1: {  	(tag) =	ssettag $0x0;
	lr =	simm.s32 $0x1  }
0x2: {  	[smem:$0x3F83] =	sst lr;
	_ =	strace $0xD0000000  }
0x3: {  	_ = 	snop  }
0x4: {  	_ = 	snop  }
0x5: {  	_ = 	snop  }
0x6: {  	_ = 	snop  }
0x7: {  	_ = 	snop  }
__scs_overlays_trampoline_lowered:
0x8: {  	[smem:$0x3F92] =	sst s0  }
0x9: {  	[smem:$0x3F93] =	sst s1  }
0xa: {  	[smem:$0x3F94] =	sst s2  }
0xb: {  	[smem:$0x3F95] =	sst s3  }
0xc: {  	[smem:$0x3F96] =	sst s4  }
0xd: {  	[smem:$0x3F97] =	sst s5  }
0xe: {  	[smem:$0x3F98] =	sst s6  }
0xf: {  	[smem:$0x3F99] =	sst s7  }
0x10: {  	[smem:$0x3F9A] =	sst s8  }
0x11: {  	[smem:$0x3F9B] =	sst s9;
	s0 =	simm.s32 @!p0 $0x0  }
0x12: {  	s1 =	sld [smem:$0x3F81];
	s0 =	simm.s32 @p0 $0x1  }
0x13: {  	[smem:$0x3F9C] =	sst s0;
	s0 =	simm.s32 @!p1 $0x0  }
0x14: {  	s2 =	sld [smem:$0x3F80];
	s0 =	simm.s32 @p1 $0x1  }
0x15: {  	[smem:$0x3F9D] =	sst s0;
	s0 =	simm.s32 @!p2 $0x0  }
0x16: {  	s3 =	sld [smem:$0x3FDB];
	s0 =	simm.s32 @p2 $0x1  }
0x17: {  	s4 =	simm.s32 $0x1BF5;
	[smem:$0x3F9F] =	sst s0  }
0x18: {  	s0 =	sld [smem:$0x3F82];
	_ =	swait.ge [sflag:s4], $0x0  }
0x19: {  	s7 =	sld [smem:$0x3F83]  }
0x1a: {  	s8 =	sadd.s32 $0xFFFFE003, lr  }
0x1b: {  	s9 =	sadd.s32 $0xFFFFFEF7, lr;
	s5 =	simm.s32 $0xFFFFFFFF;
	p2 =	slt.u32 s8, $0xFFFFF086  }
0x1c: {  	p1 =	slt.u32 s9, $0xF7A;
	s5 =	simm.s32 @!p2 $0x0  }
0x1d: {  	s5 =	simm.s32 @p1 $0x1;
	p0 =	seq.s32 s7, s2  }
0x1e: {  	s7 =	smul.u32 @!p0 $0xF7A, s2;
	p2 =	seq.s32 @!p0 s5, $0x0  }
0x1f: {  	s9 =	smul.u32 $0xF7A, s1;
	s8 =	simm.s32 @!p0 $0x1BF5;
	p2 =	por !p2, p0  }
0x20: {  	[sflag:s8] =	ssyncset.s32 @!p0 $0xFFFFF086;
	s6 =	sadd.s32 @!p0 s3, s7;
	s7 =	simm.s32 @!p0 $0x108  }
0x21: {  	s3 =	sadd.s32 s3, s9;
	s6 =	sadd.s32 @!p0 $0x88, s6;
	s7 =	simm.s32 @p2 $0x1082  }
0x22: {  	[simem:s7], [sflag:s8] =	dma.local @!p0 [hbm:s6], $0xF7A  }
0x23: {  	s9 =	sor.u32 $0xD0000000, s2;
	s6 =	simm.s32 $0x108;
	_ =	swait.ge @!p0 [sflag:s8], $0x0  }
0x24: {  	s3 =	sadd.s32 $0x88, s3;
	s6 =	simm.s32 @!p1 $0x1082;
	[sflag:s4] =	ssyncset.s32 $0xFFFFF086  }
0x25: {  	[simem:s6], [sflag:s4] =	dma.local [hbm:s3], $0xF7A  }
0x26: {  	[smem:$0x3F83] =	sst s1;
	(tag) =	ssettag s2;
	_ =	strace s9  }
0x27: {  	s1 =	sld [smem:$0x3F93]  }
0x28: {  	s2 =	sld [smem:$0x3F94]  }
0x29: {  	s4 =	sld [smem:$0x3F96]  }
0x2a: {  	p0 =	seq.s32 s5, $0x0;
	s5 =	sld [smem:$0x3F97]  }
0x2b: {  	s6 =	sld [smem:$0x3F98]  }
0x2c: {  	s7 =	sld [smem:$0x3F99]  }
0x2d: {  	s3 =	simm.s32 $0x108;
	s8 =	sld [smem:$0x3F9A]  }
0x2e: {  	s3 =	simm.s32 @!p0 $0x1082;
	s9 =	sld [smem:$0x3F9B]  }
0x2f: {  	lr =	sadd.s32 s0, s3;
	s0 =	sld [smem:$0x3F92]  }
0x30: {  	s3 =	sld [smem:$0x3F95]  }
0x31: {  	[smem:$0x3F9E] =	sst s10  }
0x32: {  	s10 =	sld [smem:$0x3F9C];
	_ =	sdelay $0x3  }
0x33: {  	p0 =	seq.s32 s10, $0x1;
	s10 =	sld [smem:$0x3F9E];
	_ =	sdelay $0x3  }
0x34: {  	[smem:$0x3F9E] =	sst s10  }
0x35: {  	s10 =	sld [smem:$0x3F9D];
	_ =	sdelay $0x3  }
0x36: {  	p1 =	seq.s32 s10, $0x1;
	s10 =	sld [smem:$0x3F9E];
	_ =	sdelay $0x3  }
0x37: {  	[smem:$0x3F9E] =	sst s10  }
0x38: {  	s10 =	sld [smem:$0x3F9F]  }
0x39: {  	_ = 	snop;
	(pc) =	sbr.ind lr, $3  }
0x3a: {  	_ = 	snop  }
0x3b: {  	_ = 	snop  }
0x3c: {  	p2 =	seq.s32 s10, $0x1;
	s10 =	sld [smem:$0x3F9E]  }
0x3d: {  	_ =	shalt  }
0x3e: {  	_ =	shalt  }
0x3f: {  	_ =	shalt  }
0x40: {  	_ =	shalt  }
0x41: {  	_ =	shalt  }
0x42: {  	_ =	shalt  }
0x43: {  	_ =	shalt  }
0x44: {  	_ =	shalt  }
0x45: {  	_ =	shalt  }
0x46: {  	_ =	shalt  }
0x47: {  	_ =	shalt  }
0x48: {  	_ =	shalt  }
0x49: {  	_ =	shalt  }
0x4a: {  	_ =	shalt  }
0x4b: {  	_ =	shalt  }
0x4c: {  	_ =	shalt  }
0x4d: {  	_ =	shalt  }
0x4e: {  	_ =	shalt  }
0x4f: {  	_ =	shalt  }
0x50: {  	_ =	shalt  }
0x51: {  	_ =	shalt  }
0x52: {  	_ =	shalt  }
0x53: {  	_ =	shalt  }
0x54: {  	_ =	shalt  }
0x55: {  	_ =	shalt  }
0x56: {  	_ =	shalt  }
0x57: {  	_ =	shalt  }
0x58: {  	_ =	shalt  }
0x59: {  	_ =	shalt  }
0x5a: {  	_ =	shalt  }
0x5b: {  	_ =	shalt  }
0x5c: {  	_ =	shalt  }
0x5d: {  	_ =	shalt  }
0x5e: {  	_ =	shalt  }
0x5f: {  	_ =	shalt  }
0x60: {  	_ =	shalt  }
0x61: {  	_ =	shalt  }
0x62: {  	_ =	shalt  }
0x63: {  	_ =	shalt  }
0x64: {  	_ =	shalt  }
0x65: {  	_ =	shalt  }
0x66: {  	_ =	shalt  }
0x67: {  	_ =	shalt  }
0x68: {  	_ =	shalt  }
0x69: {  	_ =	shalt  }
0x6a: {  	_ =	shalt  }
0x6b: {  	_ =	shalt  }
0x6c: {  	_ =	shalt  }
0x6d: {  	_ =	shalt  }
0x6e: {  	_ =	shalt  }
0x6f: {  	_ =	shalt  }
0x70: {  	_ =	shalt  }
0x71: {  	_ =	shalt  }
0x72: {  	_ =	shalt  }
0x73: {  	_ =	shalt  }
0x74: {  	_ =	shalt  }
0x75: {  	_ =	shalt  }
0x76: {  	_ =	shalt  }
0x77: {  	_ =	shalt  }
0x78: {  	_ =	shalt  }
0x79: {  	_ =	shalt  }
0x7a: {  	_ =	shalt  }
0x7b: {  	_ =	shalt  }
0x7c: {  	_ =	shalt  }
0x7d: {  	_ =	shalt  }
0x7e: {  	_ =	shalt  }
0x7f: {  	_ =	shalt  }
0x80: {  	_ =	shalt  }
0x81: {  	_ =	shalt  }
0x82: {  	_ =	shalt  }
0x83: {  	_ =	shalt  }
0x84: {  	_ =	shalt  }
0x85: {  	_ =	shalt  }
0x86: {  	_ =	shalt  }
0x87: {  	_ =	shalt  }
.Lfunc_end0:
.L_simem_size_0:
called_computation_lowered:
.L_overlay_start_0:
0x88: {  	s0 =	sld [smem:$0x3FD9]  }
0x89: {  	s1 =	sld [smem:$0x3FFE];
	_ =	sdelay $0x3  }
0x8a: {  	s0 =	sadd.s32 s1, s0  }
0x8b: {  	[smem:$0x3FAA] =	sst s0  }
0x8c: {  	_ = 	snop  }
0x8d: {  	(tm) =	ssettm $0x1  }
0x8e: {  	s15 =	sld [smem:$0x3FFB];
	_ =	sdelay $0x3  }
0x8f: {  	_ =	strace s15  }
0x90: {  	s0 =	sld [smem:$0x3FFC];
	_ =	sdelay $0x3  }
0x91: {  	_ =	strace s0  }
0x92: {  	s0 =	sld [smem:$0x3FFD];
	_ =	sdelay $0x3  }
0x93: {  	_ =	strace s0  }
0x94: {  	_ =	strace $0x8FFFFFFF  }
0x95: {  	s16 =	sld [smem:$0x3FDB];
	_ =	sdelay $0x1  }
0x96: {  	s17 =	simm.s32 $_scs_section_size  }
0x97: {  	s2 =	simm.s32 $_size__tile_overlayer_lowered;
	s3 =	simm.s32 $_tile_overlayer_lowered  }
0x98: {  	s20 =	simm.s32 $0x1BFF;
	s19 =	sshll.u32 s3, $0x1;
	s0 =	sadd.s32 s17, s16  }
0x99: {  	s4 =	simm.s32 $0x0;
	s18 =	sshll.u32 s2, $0x1;
	s2 =	sadd.s32 s19, s0  }
0x9a: {  	[timem:s4], [sflag:s20] =	dma.local [hbm:s2], s18  }
0x9b: {  	_ =	swait.ge [sflag:s20], s18  }
0x9c: {  	s1 =	ssub.s32 $0x0, s18;
	[sflag:s20] =	ssyncset.done $0x0  }
0x9d: {  	[sflag:s20] =	ssyncadd.s32 s1;
	_ =	sdelay $0x1  }
0x9e: {  	s21 =	simm.s32 $0x1B8B  }
0x9f: {  	_ =	swait.ge [sflag:s21], $0x1  }
0xa0: {  	[sflag:s21] =	ssyncset.done $0x0  }
0xa1: {  	s23 =	simm.s32 $0x1B8E;
	s22 =	sld [smem:$0x3FFE];
	[sflag:s21] =	ssyncadd.s32 $0xFFFFFFFF  }
0xa2: {  	s24 =	simm.s32 $execute0_lowered;
	[smem:$0x3FD2] =	sst s23  }
0xa3: {  	s2 =	sshll.u32 s24, $0x1;
	_ =	strace $0x80000046;
	[dreg:$0x1] =	wrdreg $0xFFFFFFFF  }
0xa4: {  	s25 =	simm.s32 $_size_execute0_lowered;
	s0 =	sadd.s32 s0, s2;
	[dreg:$0x0] =	wrdreg $0x0  }
0xa5: {  	s2 =	sshll.u32 s25, $0x1;
	[dreg:$0x2] =	wrdreg s0  }
0xa6: {  	[dreg:$0x3] =	wrdreg s2  }
0xa7: {  	[dreg:$0x4] =	wrdreg $0xC0  }
0xa8: {  	_ =	task [dreg:s4], $0x5FFFF  }
0xa9: {  	[dreg:$0x1] =	wrdreg $0xFFFFFFFF  }
0xaa: {  	[dreg:$0x0] =	wrdreg $0x60  }
0xab: {  	[dreg:$0x2] =	wrdreg s22  }
0xac: {  	[dreg:$0x3] =	wrdreg $0x9  }
0xad: {  	_ =	task.clear_ibuf [dreg:s4], $0x4FFFF;
	_ =	strace $0x90000046  }
0xae: {  	s26 =	simm.s32 $0x9;
	_ =	strace $0x80000048  }
0xaf: {  	_ =	swait.ge [sflag:s26], $0x1  }
0xb0: {  	[sflag:s26] =	ssyncadd.s32 $0xFFFFFFFF  }
0xb1: {  	_ =	strace $0x90000048  }
0xb2: {  	_ =	sfence  }
0xb3: {  	s28 =	sld [smem:$0x0];
	_ =	sdelay $0x1  }
0xb4: {  	s29 =	srdreg.scid  }
0xb5: {  	s30 =	sshll.u32 s29, $0xD;
	s31 =	sshrl.u32 s29, $0x2  }
0xb6: {  	s1 =	sand.u32 $0x1, s29;
	s2 =	sand.u32 $0x4000, s30;
	s0 =	sadd.s32 s31, s28  }
0xb7: {  	s1 =	sor.u32 s2, s1;
	s0 =	sshll.u32 s0, $0x11  }
0xb8: {  	s0 =	sor.u32 s0, s1  }
0xb9: {  	s0 =	sadd.s32 $0x8F2B, s0  }
0xba: {  	[sflag:s0] =	ssyncadd.remote.s32 $0x1  }
0xbb: {  	_ =	sfence.sel $0xFFFF  }
0xbc: {  	[dreg:$0x0] =	wrdreg $0xFFFFFFFF;
	(pc) =	sbr.abs _section_cstart, $3  }
0xbd: {  	[dreg:$0x1] =	wrdreg $0xFFFFFFFF  }
0xbe: {  	_ =	task.clear_ibuf [dreg:s4], $0x2FFFF;
	_ =	strace $0x9FFFFFFF  }
0xbf: {  	(tm) =	ssettm $0x7FFFFFFF  }
tec
execute0_lowered:
.L_overlay_start_1:
0x0: {  	(tag) =	ssettag $0x1  }
0x1: {  	s0 =	rddreg [dreg:$0x0]  }
0x2: {  	s6 =	stileid.u32;
	_ =	strace $0x80000047;
	s2 =	simm.s32 $0x1  }
0x3: {  	v1 =	vimm.s32 $0xFFFFFFFF;
	s1 =	smin.u32 s6, $0x9;
	[sflag:s2] =	ssyncpa.u1 $0x0  }
0x4: {  	s1 =	sadd.s32 s6, s1;
	[tilespmem:$0x10] =	vst v1  }
0x5: {  	v0 =	vimm.f32 $0.0e+00;
	p0 =	slt.u32 s6, $0x9;
	[tilespmem:$0x20] =	vst v1;
	s3 =	smul.u32 $0x1A90, s1;
	s1 =	simm.s32 $0x3520  }
0x6: {  	[tilespmem:$0x30] =	vst v0;
	s1 =	simm.s32 @!p0 $0x1A90  }
0x7: {  	[tilespmem:$0x40] =	vst v0;
	s1 =	sadd.s32 s1, s3  }
0x8: {  	[tilespmem:$0x50] =	vst v0;
	s4 =	smin.u32 s1, $0x29810  }
0x9: {  	s7 =	simm.s32 $0x2;
	[tilespmem:$0x60] =	vst v1;
	s9 =	ssub.s32 s4, s3  }
0xa: {  	s8 =	simm.s32 $0x8;
	s31 =	simm.s32 $0x9;
	[tilespmem:$0x70] =	vst v1;
	p0 =	sgt.s32 s9, $0x0  }
0xb: {  	s16 =	simm.s32 $0x0;
	s17 =	simm.s32 $0xF0;
	[tilespmem:$0x80] =	vst v1;
	s9 =	simm.s32 @!p0 $0x0  }
0xc: {  	s18 =	simm.s32 $0xFFFFFFFF;
	s19 =	simm.s32 $0xFFFFCBE0;
	v1 =	vimm.s32 $0x0;
	[tilespmem:$0xB0] =	vst v0;
	s5 =	smulhi.u32 $0x134679AD, s9  }
0xd: {  	s20 =	simm.s32 $0xFFFFFFFE;
	s21 =	simm.s32 $0xF;
	s25 =	simm.s32 $0x0;
	[tilespmem:$0x90] =	vst v1  }
0xe: {  	[tilespmem:$0xA0] =	vst v1;
	[sflag:s7] =	ssyncpa.u1 $0x0;
	s7 =	simm.s32 $0x7;
	s10 =	sshrl.u32 s5, $0x9  }
0xf: {  	s24 =	simm.s32 $0x0;
	[sflag:s7] =	ssyncpa.u1 $0x0;
	s11 =	smul.u32 $0x1A90, s10  }
0x10: {  	s14 =	sshllo.u32 s6, $0x1;
	[sflag:s8] =	ssyncpa.u1 $0x0;
	s23 =	smov.u32 s3  }
.Ltmp0:
0x11: {  	s1 =	sadd.s32 $0xDBE00, s0;
	p0 =	sne.s32 s9, s11;
	(pc) =	sbr.rel .LBB2_1-.Ltmp0, $4  }
0x12: {  	s5 =	sadd.s32 $0xD1600, s0;
	s0 =	sadd.s32 $0xD6A00, s0;
	s2 =	simm.s32 @!p0 $0x0  }
0x13: {  	[sflag:s31] =	ssyncpa.u1 $0x0;
	[dreg:$0x2] =	wrdreg s0;
	s9 =	sadd.s32 s2, s10  }
0x14: {  	vm0 =	vmmov $0xffff;
	v2 =	vlaneseq.u32;
	p0 =	por $0x0, $0x0;
	s10 =	sshll.u32 s6, $0x1;
	s11 =	sadd.s32 $0x1, s9  }
0x15: {  	vm1 =	vmxor vm1, vm1;
	vm2 =	vmmov $0x1;
	vm3 =	vcmask $0x3F3C;
	s12 =	sadd.s32 $0x2, s9;
	s13 =	sor.u32 $0x81, s10;
	s15 =	sor.u32 $0x80, s10  }
.LBB2_9:
0x16: {  	p1 =	slt.u32 s24, $0x3  }
0x17: {  	s0 =	simm.s32 @!p1 $0x2  }
0x18: {  	_ =	swait.ge @!p1 [sflag:s0], $0x1A90  }
0x19: {  	[sflag:s0] =	ssyncset.done @!p1 $0x0  }
0x1a: {  	[sflag:s0] =	ssyncadd.s32 @!p1 $0xFFFFE570;
	s0 =	simm.s32 @!p1 $0x9  }
0x1b: {  	_ =	swait.ge @!p1 [sflag:s0], $0x10  }
0x1c: {  	[sflag:s0] =	ssyncset.done @!p1 $0x0  }
0x1d: {  	[sflag:s0] =	ssyncadd.s32 @!p1 $0xFFFFFFF0;
	p1 =	sne.s32 s24, s12  }
.Ltmp1:
0x1e: {  	s2 =	sadd.s32 $0x1A90, s23;
	(pc) =	sbr.rel @!p1 .LBB2_10-.Ltmp1, $4  }
0x1f: {  	s6 =	smov.u32 s3;
	s31 =	sadd.s32 $0x1, s24;
	s17 =	sadd.s32 $0x1A90, s17  }
0x20: {  	s18 =	sadd.s32 $0x1, s18;
	s25 =	smov.u32 s23;
	p2 =	slt.s32 s2, s4  }
0x21: {  	p0 =	por !p0, !p0;
	s19 =	sadd.s32 $0x1A90, s19;
	s6 =	smov.u32 @p2 s2  }
0x22: {  	s20 =	sadd.s32 $0x1, s20;
	s23 =	smov.u32 s6;
	s24 =	smov.u32 s31  }
.LBB2_1:
0x23: {  	p1 =	sge.u32 s24, s9  }
0x24: {  	s0 =	smulhi.u32 @!p1 $0xAAAAAAAB, s24;
	_ =	sdelay $0x1  }
0x25: {  	s0 =	sshrl.u32 @!p1 s0, $0x1  }
0x26: {  	s0 =	smul.u32 @!p1 $0x3, s0;
	_ =	sdelay $0x1  }
0x27: {  	s0 =	ssub.s32 @!p1 s24, s0  }
0x28: {  	s0 =	smul.u32 @!p1 $0x6A40, s0;
	_ =	sdelay $0x1  }
0x29: {  	s2 =	sshrl.u32 @!p1 s23, $0x3;
	s0 =	sshrl.u32 @!p1 s0, $0x2  }
0x2a: {  	s22 =	sand.u32 @!p1 $0x7, s23;
	s2 =	sadd.s32 @!p1 s5, s2;
	s0 =	sadd.s32 @!p1 $0x100, s0  }
0x2b: {  	[tilespmem:s0], [sflag:$0x7] =	stream.linear.gather @!p1 [hbm4b:s2+s22], $0x1A90, $0x38;
	[tilespmem:$0xF030] =	vst v63  }
0x2c: {  	s0 =	sadd.s32 $0xFFFFFFFF, s24  }
0x2d: {  	p1 =	sge.u32 s0, s9  }
.Ltmp2:
0x2e: {  	_ = 	snop;
	(pc) =	sbr.rel @p1 .LBB2_5-.Ltmp2, $1  }
0x2f: {  	_ =	sdelay $0x3  }
0x30: {  	s2 =	smulhi.u32 $0xAAAAAAAB, s0;
	_ =	sdelay $0x1  }
0x31: {  	s2 =	sshrl.u32 s2, $0x1  }
0x32: {  	s2 =	smul.u32 $0x3, s2;
	_ =	sdelay $0x1  }
0x33: {  	s2 =	ssub.s32 s0, s2  }
0x34: {  	s2 =	smul.u32 $0x6A40, s2  }
0x35: {  	_ =	swait.ge [sflag:s7], $0x1A90  }
0x36: {  	[sflag:s7] =	ssyncset.done $0x0;
	s2 =	sshrl.u32 s2, $0x2  }
0x37: {  	[sflag:s7] =	ssyncadd.s32 $0xFFFFE570;
	(ifvalue) =	ssetifvalue $0xFFFFFFFF;
	v3 =	vld.msk [tilespmem:s2+$0x100 ss:$0x1], $0xffff;
	_ =	sdelay $0x2  }
0x38: {  	s30 =	smulhi.u32 $0xAAAAAAAB, s18;
	p1 =	sne.s32 s24, $0x1  }
0x39: {  	v4 =	vimm.s32 @!p1 $0x0  }
0x3a: {  	s2 =	sshrl.u32 s30, $0x1;
	v4 =	vperm.xlane @!p1 v3, v4  }
0x3b: {  	s22 =	sshll.u32 s24, $0x4;
	s2 =	smul.u32 $0xFFFEC140, s2;
	vm4 =	vlt.u32 v3, $0x6400000  }
0x3c: {  	s22 =	sand.u32 $0x10, s22;
	v3 =	vnsel vm4, $0xFFFFFFFE, v3;
	vm4 =	vlt.u32 @!p1 v4, $0x6400000  }
0x3d: {  	s2 =	sshra.s32 s2, $0x2;
	[tilespmem:s22+$0x60] =	vst v3;
	v3 =	vnsel @!p1 vm4, $0xFFFFFFFE, v4  }
0x3e: {  	s28 =	sadd.s32 s2, s17;
	[tilespmem:$0x80] =	vst @!p1 v3  }
0x3f: {  	v3 =	vld.msk [tilespmem:s28+$0x0 ss:$0x1], $0xffff;
	_ =	sdelay $0x4  }
0x40: {  	(xrf1) =	vunique.msk.u32 $0xffff, v3;
	_ =	sdelay $0xd  }
0x41: {  	v4 =	vimm.s32 $0xFFFFFFFF;
	v5, _, _ =	vpop (xrf1)  }
0x42: {  	vm5 =	vne.s32 v3, v4;
	vm4 =	veq.s32 v5, v2  }
0x43: {  	vm6 =	vlt.u32 v3, $0x6400000;
	vm4 =	vmand vm5, vm4  }
0x44: {  	vm4 =	vmand vm6, vm4  }
0x45: {  	v4 =	vnsel vm4, $0xFFFFFFFF, v3  }
0x46: {  	s31 =	sand.u32 $0x1, s0  }
0x47: {  	s0 =	simm.s32 $0x1A90;
	p1 =	seq.s32 s31, $0x1  }
0x48: {  	s0 =	simm.s32 @!p1 $0x0  }
0x49: {  	s26 =	sadd.s32 $0x6B30, s0;
	(ifvalue) =	ssetifvalue $0xFFFFFFFF  }
0x4a: {  	v3 =	vperm.xlane v3, v1;
	[tilespmem:s26], [sflag:$0x8] =	stream.indirect_vreg.gather [hbm4b:s1+s16], $0x1, v4, vm0, $0x4038;
	v4 =	vnsel vm6, $0xFFFFFFFE, v4;
	[tilespmem:$0xF030] =	vst v63  }
0x4b: {  	s2 =	simm.s32 $0x0;
	s22 =	sadd.s32 $0xFFFFFFF0, s28;
	[tilespmem:s28+$0x0] =	vst v4  }
.LBB2_3:
0x4c: {  	v4 =	vld.msk [tilespmem:s22+$0x0 ss:$0x1], $0xffff;
	s2 =	sadd.s32 $0x10, s2;
	v5 =	vmov v3;
	s28 =	smov.u32 s22  }
0x4d: {  	p1 =	slt.u32 s2, $0x1A80;
	_ =	sdelay $0x4  }
0x4e: {  	v3 =	vperm.xlane v4, v1;
	(xrf1) =	vunique.msk.u32 $0xffff, v4;
	_ =	sdelay $0xd  }
0x4f: {  	v6, _, _ =	vpop (xrf1)  }
0x50: {  	vm5 =	vne.s32 v4, v5;
	vm4 =	veq.s32 v6, v2  }
0x51: {  	vm6 =	vlt.u32 v4, $0x6400000;
	vm4 =	vmand vm5, vm4  }
0x52: {  	vm4 =	vmand vm6, vm4  }
0x53: {  	v4 =	vnsel vm4, $0xFFFFFFFF, v4  }
.Ltmp3:
0x54: {  	v5 =	vnsel vm6, $0xFFFFFFFE, v4;
	(pc) =	sbr.rel @p1 .LBB2_3-.Ltmp3, $3  }
0x55: {  	_ =	sdelay $0x1  }
0x56: {  	s22 =	sadd.s32 $0xFFFFFFF0, s22;
	s26 =	sadd.s32 $0xFFFFFFF0, s26;
	(ifvalue) =	ssetifvalue $0xFFFFFFFF  }
0x57: {  	[tilespmem:s26], [sflag:$0x8] =	stream.indirect_vreg.gather [hbm4b:s1+s16], $0x1, v4, vm0, $0x4038;
	[tilespmem:s28+$0x0] =	vst v5  }
0x58: {  	s2 =	sshrl.u32 s25, $0x3;
	s6 =	rddreg [dreg:$0x2]  }
0x59: {  	s0 =	sadd.s32 $0x85D0, s0;
	s2 =	sadd.s32 s6, s2  }
0x5a: {  	[tilespmem:s0], [sflag:$0x8] =	stream.linear.gather [hbm:s2], $0x1A90, $0x38;
	[tilespmem:$0xF030] =	vst v63  }
.LBB2_5:
0x5b: {  	p1 =	slt.u32 s24, $0x2  }
0x5c: {  	p2 =	sge.u32 @!p1 s24, s12  }
0x5d: {  	p1 =	por p1, p2  }
.Ltmp4:
0x5e: {  	_ = 	snop;
	(pc) =	sbr.rel @p1 .LBB2_9-.Ltmp4, $1  }
0x5f: {  	_ =	sdelay $0x3  }
0x60: {  	s0 =	sadd.s32 $0xFFFFFFFE, s24  }
0x61: {  	s2 =	smulhi.u32 $0xAAAAAAAB, s0;
	_ =	sdelay $0x1  }
0x62: {  	s2 =	sshrl.u32 s2, $0x1  }
0x63: {  	s2 =	smul.u32 $0x3, s2;
	_ =	sdelay $0x1  }
0x64: {  	s0 =	ssub.s32 s0, s2  }
0x65: {  	_ =	swait.ge [sflag:s8], $0x3520;
	s0 =	smul.u32 $0x1A90, s0  }
0x66: {  	p1 =	sne.s32 s24, s11;
	[sflag:s8] =	ssyncset.done $0x0  }
0x67: {  	[sflag:s8] =	ssyncadd.s32 $0xFFFFCAE0;
	s2 =	sadd.s32 @!p1 $0x1B8F, s0  }
0x68: {  	[spmem:s13] =	stream.linear.scatter @!p1 [tilespmem:s2], [sflag:$0x1], $0x1, $0x38;
	[tilespmem:$0xF030] =	vst v63  }
0x69: {  	s2 =	simm.s32 @!p1 $0x1  }
0x6a: {  	_ =	swait.ge @!p1 [sflag:s2], $0x1  }
0x6b: {  	s22 =	sshll.u32 s24, $0x4;
	[sflag:s2] =	ssyncset.done @!p1 $0x0  }
0x6c: {  	s25 =	sand.u32 $0x10, s22;
	[sflag:s2] =	ssyncadd.s32 @!p1 $0xFFFFFFFF  }
0x6d: {  	s2 =	sxor.u32 $0x10, s25;
	v4 =	vld [tilespmem:s25+$0x10]  }
0x6e: {  	v5 =	vld [tilespmem:s2+$0x60]  }
0x6f: {  	v3 =	vld [tilespmem:$0x80];
	_ =	sdelay $0x2  }
0x70: {  	(v2sf) =	vpush v4, $0x0  }
0x71: {  	(v2sf) =	vpush v5, $0x0  }
0x72: {  	(v2sf) =	vpush v3, $0x0;
	_ =	sdelay $0xc  }
0x73: {  	s6 =	spop (v2sf)  }
0x74: {  	s28 =	spop (v2sf)  }
0x75: {  	s26 =	spop (v2sf)  }
0x76: {  	p2 =	seq.s32 s6, s28;
	p3 =	seq.s32 s26, s6  }
0x77: {  	p3 =	por p2, p3  }
0x78: {  	s6 =	sand.u32 $0x1, s24;
	v4 =	vpsel p3, $0xFFFFFFFF, v4  }
0x79: {  	s28 =	smul.u32 $0x1A90, s6;
	[tilespmem:s25+$0x10] =	vst.msk $0x1, v4  }
0x7a: {  	v4 =	vld [tilespmem:$0x30]  }
0x7b: {  	v5 =	vld [tilespmem:s28+$0x85D0]  }
0x7c: {  	v6 =	vld [tilespmem:s25+$0x40];
	_ =	sdelay $0x3  }
0x7d: {  	vm4 =	vmmov vm1;
	v5 =	vadd.f32 v5, v4  }
0x7e: {  	vm5 =	vmmov vm2;
	vm4 =	vmmov @p2 vm2;
	v4 =	vadd.f32 v6, v4  }
0x7f: {  	s22 =	sshll.u32 s6, $0x4;
	vm5 =	vmmov @p3 vm1;
	[tilespmem:s28+$0x85D0] =	vst.msk vm4, v5  }
0x80: {  	[tilespmem:s22+$0xF010] =	vst.msk vm5, v4  }
0x81: {  	v4 =	vld [tilespmem:s28+$0x6B30];
	_ =	sdelay $0x3  }
0x82: {  	v5 =	vimm.f32 $0.0e+00  }
0x83: {  	v4 =	vshift.insert v4, v5, s21  }
0x84: {  	s29 =	sor.u32 $0x40, s2  }
0x85: {  	[tilespmem:s29+$0x0] =	vst.msk $0x1, v4  }
0x86: {  	[tilespmem:s28+$0x6B3F] =	vst.msk $0x1, v5  }
0x87: {  	v4 =	vld [tilespmem:s0+$0x1B80];
	_ =	sdelay $0x1  }
0x88: {  	s29 =	smulhi.u32 $0xAAAAAAAB, s20;
	s0 =	simm.s32 $0x1  }
0x89: {  	s0 =	simm.s32 @!p0 $0x0  }
0x8a: {  	s29 =	sshrl.u32 s29, $0x1;
	s0 =	smul.u32 $0x6A40, s0  }
0x8b: {  	s29 =	smul.u32 $0xFFFEC140, s29;
	v4 =	vshift.insert v4, v1, s21  }
0x8c: {  	s0 =	sshrl.u32 s0, $0x2  }
0x8d: {  	s29 =	sshra.s32 s29, $0x2;
	s30 =	sadd.s32 $0x85D0, s0;
	[tilespmem:s2+$0x10] =	vst.msk $0x1, v4  }
0x8e: {  	s6 =	sadd.s32 s29, s19;
	v6 =	vld [tilespmem:s30+$0x0]  }
0x8f: {  	v7 =	vld [tilespmem:s6+$0x0];
	_ =	sdelay $0x3  }
0x90: {  	v5 =	vadd.f32 v6, v5  }
0x91: {  	vm4 =	vne.s32 v7, $0xFFFFFFFF  }
0x92: {  	(xrf2) =	vadd.seg.scan.f32 vm4, v5;
	_ =	sdelay $0x3  }
0x93: {  	s31 =	sadd.s32 $0x50B0, s0;
	v5 =	vperm.xlane v4, v1  }
0x94: {  	v6 =	vld [tilespmem:s31+$0x0]  }
0x95: {  	vm5 =	veq.s32 v7, v3;
	vm6 =	veq.s32 v7, v5  }
0x96: {  	vm7 =	vgt.u32 v7, $0xFFFFFFFD;
	vm6 =	vmor vm6, vm5  }
0x97: {  	vm6 =	vmor vm6, vm7  }
0x98: {  	v9 =	vld [tilespmem:$0xA0];
	v7 =	vsel vm6, $0xFFFFFFFF, v7  }
0x99: {  	v10 =	vld [tilespmem:$0x90];
	v6 =	vsel vm5, $0x0, v6;
	v8, _, _ =	vpop (xrf2)  }
0x9a: {  	v6 =	vadd.f32 v8, v6  }
0x9b: {  	s0 =	sadd.s32 $0xBAF0, s0  }
0x9c: {  	vm4 =	vmand vm4, vm3;
	[tilespmem:s0+$0x0] =	vst v6;
	(ifvalue) =	ssetifvalue $0xFFFFFFFF  }
0x9d: {  	vm6 =	veq.s32 v9, $0x1;
	[hbm4b:s1+s16] =	stream.indirect_vreg.scatter [tilespmem:s0], [sflag:$0x2], $0x1, v7, vm0, $0x4038;
	v7 =	vsel vm4, $0x0, v8;
	[tilespmem:$0xF030] =	vst v63  }
0x9e: {  	s29 =	sadd.s32 $0xF010, s22;
	s22 =	sadd.s32 $0x10, s6;
	s2 =	simm.s32 $0x0;
	vm4 =	vmor vm6, vm5;
	v6 =	vsel vm5, v8, v10;
	v7 =	vshift.insert v7, v0, s21  }
.LBB2_7:
0x9f: {  	v8 =	vld [tilespmem:s22+$0x0];
	s30 =	sadd.s32 $0x10, s30  }
0xa0: {  	s31 =	sadd.s32 $0x10, s31;
	v9 =	vld [tilespmem:s30+$0x0]  }
0xa1: {  	s2 =	sadd.s32 $0x10, s2;
	v10 =	vld [tilespmem:s31+$0x0]  }
0xa2: {  	p2 =	slt.u32 s2, $0x1A80;
	_ =	sdelay $0x2  }
0xa3: {  	v7 =	vadd.f32 v9, v7  }
0xa4: {  	vm5 =	vne.s32 v8, $0xFFFFFFFF  }
0xa5: {  	vm6 =	vmand vm5, vm3;
	(xrf2) =	vadd.seg.scan.f32 vm5, v7;
	_ =	sdelay $0x5  }
0xa6: {  	vm7 =	veq.s32 v8, v5;
	vm5 =	veq.s32 v8, v3  }
0xa7: {  	vm8 =	vgt.u32 v8, $0xFFFFFFFD;
	vm4 =	vmor vm4, vm5;
	vm7 =	vmor vm7, vm5  }
0xa8: {  	vm7 =	vmor vm7, vm8  }
0xa9: {  	v8 =	vsel vm7, $0xFFFFFFFF, v8  }
.Ltmp5:
0xaa: {  	v7 =	vsel vm5, $0x0, v10;
	v9, _, _ =	vpop (xrf2);
	(pc) =	sbr.rel @p2 .LBB2_7-.Ltmp5, $4  }
0xab: {  	v6 =	vsel vm5, v9, v6;
	v10 =	vadd.f32 v9, v7;
	v7 =	vsel vm6, $0x0, v9  }
0xac: {  	s0 =	sadd.s32 $0x10, s0;
	v7 =	vshift.insert v7, v0, s21  }
0xad: {  	s22 =	sadd.s32 $0x10, s22;
	[tilespmem:s0+$0x0] =	vst v10;
	(ifvalue) =	ssetifvalue $0xFFFFFFFF  }
0xae: {  	[hbm4b:s1+s16] =	stream.indirect_vreg.scatter [tilespmem:s0], [sflag:$0x2], $0x1, v8, vm0, $0x4038;
	[tilespmem:$0xF030] =	vst v63  }
0xaf: {  	v3 =	vld [tilespmem:s28+$0xD570];
	_ =	sdelay $0x4  }
0xb0: {  	v3 =	vshift.insert v3, v0, s21  }
0xb1: {  	s0 =	simm.s32 $0x30  }
0xb2: {  	[tilespmem:s0+$0x0] =	vst.msk $0x1, v3  }
0xb3: {  	v3 =	vsel vm4, $0x1, v1;
	[tilespmem:$0x90] =	vst v6  }
0xb4: {  	s0 =	sadd.s32 @!p1 $0xD57F, s28;
	[tilespmem:$0xA0] =	vst v3  }
0xb5: {  	[spmem:s14] =	stream.linear.scatter @!p1 [tilespmem:s0], [sflag:$0x1], $0x1, $0x38;
	[tilespmem:$0xF030] =	vst v63  }
0xb6: {  	s0 =	simm.s32 @!p1 $0x1  }
0xb7: {  	v3 =	vmctz.xlane @!p1 vm4;
	_ =	swait.ge @!p1 [sflag:s0], $0x1  }
0xb8: {  	(v2sf) =	vpush @!p1 v4, $0x0  }
0xb9: {  	(v2sf) =	vpush @!p1 v3, $0x0;
	_ =	sdelay $0xd  }
0xba: {  	s2 =	spop @!p1 (v2sf)  }
0xbb: {  	s6 =	spop @!p1 (v2sf)  }
0xbc: {  	p2 =	sne.s32 @!p1 s26, s2;
	p3 =	slt.s32 @!p1 s6, $0xF  }
0xbd: {  	[sflag:s0] =	ssyncset.done @!p1 $0x0;
	p2 =	por p2, p1;
	p3 =	por !p3, p1  }
0xbe: {  	[sflag:s0] =	ssyncadd.s32 @!p1 $0xFFFFFFFF;
	v3 =	vimm.s32 @!p2 $0xFFFFFFFF;
	s6 =	simm.s32 @p3 $0xF  }
0xbf: {  	[tilespmem:$0x80] =	vst @!p2 v3;
	s2 =	sadd.s32 @!p1 $0x90, s6  }
0xc0: {  	[spmem:s10] =	stream.linear.scatter @!p1 [tilespmem:s2], [sflag:$0x1], $0x1, $0x38;
	[tilespmem:$0xF030] =	vst v63  }
0xc1: {  	_ =	swait.ge @!p1 [sflag:s0], $0x1  }
0xc2: {  	[sflag:s0] =	ssyncset.done @!p1 $0x0  }
0xc3: {  	s2 =	simm.s32 @!p1 $0x80;
	[sflag:s0] =	ssyncadd.s32 @!p1 $0xFFFFFFFF  }
0xc4: {  	[spmem:s15] =	stream.linear.scatter @!p1 [tilespmem:s2], [sflag:$0x1], $0x1, $0x38;
	[tilespmem:$0xF030] =	vst v63  }
0xc5: {  	_ =	swait.ge @!p1 [sflag:s0], $0x1  }
0xc6: {  	[sflag:s0] =	ssyncset.done @!p1 $0x0  }
0xc7: {  	[sflag:s0] =	ssyncadd.s32 @!p1 $0xFFFFFFFF;
	(ifvalue) =	ssetifvalue $0xFFFFFFFF;
	v3 =	vld [tilespmem:s25+$0x10];
	_ =	sdelay $0x3  }
.Ltmp6:
0xc8: {  	_ = 	snop;
	(pc) =	sbr.rel .LBB2_9-.Ltmp6, $3  }
0xc9: {  	_ =	sdelay $0x1  }
0xca: {  	(ifvalue) =	ssetifvalue $0xFFFFFFFF  }
0xcb: {  	[hbm4b:s1+s16] =	stream.indirect_vreg.scatter [tilespmem:s29], [sflag:$0x9], $0x1, v3, vm0, $0x4038;
	[tilespmem:$0xF030] =	vst v63  }
.LBB2_10:
0xcc: {  	_ =	sfence.sel $0x180000  }
0xcd: {  	s0 =	simm.s32 $0x7;
	[bflag:$0x0] =	sbarrier.arrive $0xFFFF  }
0xce: {  	s26 =	simm.s32 $0x8;
	[sflag:s0] =	ssyncpa.u1 $0x1  }
0xcf: {  	s28 =	simm.s32 $0x9;
	[sflag:s26] =	ssyncpa.u1 $0x1  }
0xd0: {  	[sflag:s28] =	ssyncpa.u1 $0x1  }
0xd1: {  	_ =	sfence.stream.spmem  }
0xd2: {  	s29 =	simm.s32 $0x3;
	[bflag:$0x0] =	sbarrier.arrive $0xFFFF  }
0xd3: {  	s30 =	simm.s32 $0x4;
	[sflag:s29] =	ssyncpa.u1 $0x1  }
0xd4: {  	s31 =	simm.s32 $0x3C;
	s2 =	stileid.u32;
	[sflag:s30] =	ssyncpa.u1 $0x1  }
0xd5: {  	p0 =	sne.s32 s2, $0x0;
	[sflag:s31] =	ssyncpa.u1 $0x1  }
0xd6: {  	s0 =	simm.s32 @p0 $0x1;
	_ =	sfence @p0  }
0xd7: {  	[sflag:s0] =	ssyncpa.u1 @p0 $0x1;
	s0 =	simm.s32 @p0 $0x2  }
0xd8: {  	[sflag:s0] =	ssyncpa.u1 @p0 $0x1  }
0xd9: {  	_ =	strace @p0 $0x90000047  }
0xda: {  	[bflag:$0x2] =	sbarrier.arrive @p0 $0xFFFF  }
0xdb: {  	_ =	shalt @p0  }
.LBB2_11:
0xdc: {  	_ =	sfence.stream.spmem;
	s0 =	simm.s32 $0x5  }
0xdd: {  	s2 =	simm.s32 $0x80;
	s3 =	simm.s32 $0xC0;
	[sflag:s0] =	ssyncpa.u1 $0x0  }
0xde: {  	[tilespmem:s3], [sflag:$0x5] =	stream.linear.gather [spmem:s2], $0x20, $0x38;
	[tilespmem:$0xF030] =	vst v63  }
0xdf: {  	s2 =	simm.s32 $0x0;
	s3 =	simm.s32 $0xE0  }
0xe0: {  	[tilespmem:s3], [sflag:$0x5] =	stream.linear.gather [spmem:s2], $0x20, $0x38;
	[tilespmem:$0xF030] =	vst v63  }
.Ltmp7:
0xe1: {  	_ = 	snop;
	(pc) =	sbr.rel .LBB2_12-.Ltmp7, $4  }
0xe2: {  	_ =	swait.ge [sflag:s0], $0x40  }
0xe3: {  	[sflag:s0] =	ssyncset.done $0x0  }
0xe4: {  	s31 =	simm.s32 $0x6;
	[sflag:s0] =	ssyncadd.s32 $0xFFFFFFC0  }
0xe5: {  	s4 =	simm.s32 $0x0;
	[sflag:s31] =	ssyncpa.u1 $0x0  }
.LBB2_17:
0xe6: {  	p0 =	sgt.u32 s5, $0x63FFFFF  }
0xe7: {  	s0 =	sshrl.u32 @!p0 s5, $0x3  }
0xe8: {  	s5 =	sand.u32 @!p0 $0x7, s5;
	s6 =	simm.s32 @!p0 $0xB0;
	s0 =	sadd.s32 @!p0 s1, s0  }
0xe9: {  	[tilespmem:s6], [sflag:$0x6] =	stream.linear.gather @!p0 [hbm4b:s0+s5], $0x1, $0x38;
	[tilespmem:$0xF030] =	vst v63  }
0xea: {  	s0 =	simm.s32 @!p0 $0x6  }
0xeb: {  	_ =	swait.ge @!p0 [sflag:s0], $0x1  }
0xec: {  	[sflag:s0] =	ssyncset.done @!p0 $0x0  }
0xed: {  	[sflag:s0] =	ssyncadd.s32 @!p0 $0xFFFFFFFF  }
0xee: {  	v2 =	vmov @!p0 s4;
	v1 =	vld.msk @!p0 [tilespmem:$0xB0], $0x1;
	_ =	sdelay $0x3  }
0xef: {  	s0 =	simm.s32 @!p0 $0xE0  }
0xf0: {  	[tilespmem:v2+s0+$0x0], v1 =	vst.idx.ret.add.f32.msk @!p0 $0x1, v1  }
0xf1: {  	[tilespmem:s2+$0xC0] =	vst.msk $0x1, v0  }
0xf2: {  	v0 =	vld.msk [tilespmem:s4+$0xE0], $0x1;
	_ =	sdelay $0x4  }
0xf3: {  	[tilespmem:s2+$0xE0] =	vst.msk $0x1, v0;
	s2 =	sadd.s32 $0x1, s2  }
.LBB2_19:
0xf4: {  	s4 =	sadd.s32 $0x1, s4  }
0xf5: {  	p0 =	sne.s32 s4, $0x20  }
.Ltmp8:
0xf6: {  	_ = 	snop;
	(pc) =	sbr.rel @!p0 .LBB2_20-.Ltmp8, $1  }
0xf7: {  	_ =	sdelay $0x3  }
.LBB2_12:
0xf8: {  	v0 =	vld.msk [tilespmem:s4+$0xC0], $0x1;
	_ =	sdelay $0x4  }
0xf9: {  	(v2sf) =	vpush v0, $0x0;
	_ =	sdelay $0xe  }
0xfa: {  	s5 =	spop (v2sf)  }
0xfb: {  	p0 =	seq.s32 s5, $0xFFFFFFFF  }
.Ltmp9:
0xfc: {  	_ = 	snop;
	(pc) =	sbr.rel @p0 .LBB2_19-.Ltmp9, $1  }
0xfd: {  	_ =	sdelay $0x3  }
0xfe: {  	p0 =	slt.s32 s2, $0x1  }
.Ltmp10:
0xff: {  	_ = 	snop;
	(pc) =	sbr.rel @p0 .LBB2_17-.Ltmp10, $1  }
0x100: {  	_ =	sdelay $0x3  }
0x101: {  	s0 =	simm.s32 $0xC0;
	p0 =	por $0x0, $0x0  }
0x102: {  	v1 =	vld.msk @!p0 [tilespmem:s0+$0x0], $0x1;
	_ =	sdelay $0x4  }
0x103: {  	(v2sf) =	vpush @!p0 v1, $0x0;
	_ =	sdelay $0xd  }
0x104: {  	p2 =	sne.s32 s2, $0x1  }
.Ltmp11:
0x105: {  	s6 =	spop @!p0 (v2sf);
	(pc) =	sbr.rel @!p2 .LBB2_16-.Ltmp11, $4  }
0x106: {  	p1 =	seq.s32 @!p0 s5, s6  }
0x107: {  	s6 =	simm.s32 $0x0;
	p1 =	por !p1, p0  }
0x108: {  	s8 =	simm.s32 $0xFFFFFFFF;
	s6 =	simm.s32 @p1 $0xFFFFFFFF  }
0x109: {  	s7 =	simm.s32 $0x1;
	s6 =	smov.u32 @p0 s8  }
.LBB2_15:
0x10a: {  	s8 =	smov.u32 s6;
	p0 =	sne.s32 s6, $0xFFFFFFFF  }
0x10b: {  	s0 =	sadd.s32 $0x1, s0;
	s6 =	smov.u32 s7;
	s7 =	sadd.s32 $0x1, s7  }
0x10c: {  	p1 =	sne.s32 s2, s7;
	v1 =	vld.msk @!p0 [tilespmem:s0+$0x0], $0x1;
	_ =	sdelay $0x4  }
0x10d: {  	(v2sf) =	vpush @!p0 v1, $0x0;
	_ =	sdelay $0xe  }
.Ltmp12:
0x10e: {  	s9 =	spop @!p0 (v2sf);
	(pc) =	sbr.rel @p1 .LBB2_15-.Ltmp12, $4  }
0x10f: {  	p2 =	seq.s32 @!p0 s5, s9  }
0x110: {  	p2 =	por !p2, p0  }
0x111: {  	s6 =	simm.s32 @p2 $0xFFFFFFFF  }
0x112: {  	s6 =	smov.u32 @p0 s8  }
.LBB2_16:
0x113: {  	p0 =	sne.s32 s6, $0xFFFFFFFF  }
.Ltmp13:
0x114: {  	_ = 	snop;
	(pc) =	sbr.rel @!p0 .LBB2_17-.Ltmp13, $1  }
0x115: {  	_ =	sdelay $0x3  }
0x116: {  	v0 =	vld.msk [tilespmem:s4+$0xE0], $0x1;
	v1 =	vmov s6  }
.Ltmp14:
0x117: {  	_ = 	snop;
	(pc) =	sbr.rel .LBB2_19-.Ltmp14, $2  }
0x118: {  	_ =	sdelay $0x2  }
0x119: {  	[tilespmem:v1+s3+$0x0], v0 =	vst.idx.ret.add.f32.msk $0x1, v0  }
.LBB2_20:
0x11a: {  	p0 =	slt.s32 s2, $0x1  }
.Ltmp15:
0x11b: {  	_ = 	snop;
	(pc) =	sbr.rel @p0 .LBB2_24-.Ltmp15, $3  }
0x11c: {  	_ =	sdelay $0x1  }
0x11d: {  	s0 =	simm.s32 $0x6  }
0x11e: {  	s3 =	simm.s32 $0x0;
	[sflag:s0] =	ssyncpa.u1 $0x1  }
0x11f: {  	s0 =	simm.s32 $0xC0  }
0x120: {  	v0 =	vld.msk [tilespmem:s0+$0x0], $0x1;
	_ =	sdelay $0x4  }
0x121: {  	(v2sf) =	vpush v0, $0x0;
	_ =	sdelay $0xe  }
0x122: {  	s2 =	sadd.s32 $0xFFFFFFFF, s2;
	s4 =	spop (v2sf)  }
0x123: {  	p1 =	sne.s32 s2, $0x0;
	p0 =	sgt.u32 s4, $0x63FFFFF  }
.Ltmp16:
0x124: {  	s5 =	sshrl.u32 @!p0 s4, $0x3;
	(pc) =	sbr.rel @!p1 .LBB2_23-.Ltmp16, $4  }
0x125: {  	s0 =	simm.s32 $0xE0;
	s4 =	sand.u32 @!p0 $0x7, s4;
	s5 =	sadd.s32 @!p0 s1, s5  }
0x126: {  	[hbm4b:s5+s4] =	stream.linear.scatter @!p0 [tilespmem:s0], [sflag:$0x5], $0x1, $0x38;
	[tilespmem:$0xF030] =	vst v63  }
0x127: {  	s5 =	simm.s32 $0x0  }
0x128: {  	s4 =	simm.s32 $0xC1;
	s5 =	simm.s32 @!p0 $0x4  }
.LBB2_22:
0x129: {  	v0 =	vld.msk [tilespmem:s4+$0x0], $0x1;
	s2 =	sadd.s32 $0xFFFFFFFF, s2;
	s3 =	sadd.s32 s3, s5  }
0x12a: {  	p0 =	sne.s32 s2, $0x0;
	_ =	sdelay $0x3  }
0x12b: {  	(v2sf) =	vpush v0, $0x0;
	_ =	sdelay $0xe  }
.Ltmp17:
0x12c: {  	s6 =	spop (v2sf);
	(pc) =	sbr.rel @p0 .LBB2_22-.Ltmp17, $4  }
0x12d: {  	s5 =	simm.s32 $0x0;
	p1 =	sgt.u32 s6, $0x63FFFFF  }
0x12e: {  	s0 =	sadd.s32 $0x1, s0;
	s5 =	simm.s32 @!p1 $0x4;
	s7 =	sshrl.u32 @!p1 s6, $0x3  }
0x12f: {  	s4 =	sadd.s32 $0x1, s4;
	s6 =	sand.u32 @!p1 $0x7, s6;
	s7 =	sadd.s32 @!p1 s1, s7  }
0x130: {  	[hbm4b:s7+s6] =	stream.linear.scatter @!p1 [tilespmem:s0], [sflag:$0x5], $0x1, $0x38;
	[tilespmem:$0xF030] =	vst v63  }
.LBB2_23:
0x131: {  	s0 =	sadd.s32 s3, s5  }
0x132: {  	s3 =	sshrl.u32 s0, $0x2  }
.LBB2_24:
0x133: {  	s0 =	simm.s32 $0x5  }
0x134: {  	_ =	swait.ge [sflag:s0], s3  }
0x135: {  	s1 =	ssub.s32 $0x0, s3;
	[sflag:s0] =	ssyncset.done $0x0  }
0x136: {  	[sflag:s0] =	ssyncadd.s32 s1  }
0x137: {  	[sflag:s0] =	ssyncpa.u1 $0x1  }
0x138: {  	s29 =	simm.s32 $0x1;
	_ =	sfence  }
0x139: {  	s30 =	simm.s32 $0x2;
	[sflag:s29] =	ssyncpa.u1 $0x1  }
0x13a: {  	[sflag:s30] =	ssyncpa.u1 $0x1  }
0x13b: {  	_ =	strace $0x90000047  }
0x13c: {  	[bflag:$0x2] =	sbarrier.arrive $0xFFFF  }
0x13d: {  	s31 =	rddreg [dreg:$0x1]  }
0x13e: {  	s0 =	sadd.s32 $0x100000, s31  }
0x13f: {  	[sflag:s0] =	ssyncadd.tile.s32 $0x1;
	_ =	shalt  }
.Lfunc_end2:
_tile_overlayer_lowered:
.L_overlay_start_2:
0x140: {  	(tag) =	ssettag $0x2  }
0x141: {  	s0 =	rddreg [dreg:$0x0];
	s2 =	stileid.u32  }
0x142: {  	s1 =	rddreg [dreg:$0x1];
	p0 =	sne.s32 s2, $0x0  }
0x143: {  	s3 =	rddreg [dreg:$0x2];
	[bflag:$0x3] =	sbarrier.arrive $0xFFFF;
	s2 =	simm.s32 @!p0 $0x1C01  }
0x144: {  	[timem:s3], [sflag:s2] =	dma.local @!p0 [hbm:s0], s1  }
0x145: {  	s0 =	simm.s32 @!p0 $0x1  }
0x146: {  	_ =	swait.ge @!p0 [sflag:s0], s1  }
0x147: {  	s1 =	ssub.s32 @!p0 $0x0, s1;
	[sflag:s0] =	ssyncset.done @!p0 $0x0  }
0x148: {  	[sflag:s0] =	ssyncadd.s32 @!p0 s1  }
0x149: {  	[bflag:$0x3] =	sbarrier.arrive $0xFFFF  }
0x14a: {  	_ =	shalt  }

</sc_bundles>
